<compile_context>
chip_gen: v7x
topology: tpu7x:2x2x1
jax: 0.10.2.dev20260603
libtpu: 0.0.44.dev20260713+nightly
codegen_flags: <defaults>
</compile_context>

<pallas_src>
import functools

import jax
import jax.numpy as jnp
from jax import lax
from jax.experimental import pallas as pl
from jax.experimental.pallas import tpu as pltpu
from jax.experimental.pallas import tpu_sc as plsc

B, S, N, M, W = 16, 128, 4, 2048, 1
MC = 128
NCHUNK = M // MC // 2
L = 16

_mesh = plsc.VectorSubcoreMesh(core_axis_name="c", subcore_axis_name="s")


@functools.partial(
    pl.kernel,
    mesh=_mesh,
    out_type=jax.ShapeDtypeStruct((B, 3 * M, S), jnp.float32),
    scratch_types=[
        pltpu.VMEM((S * N,), jnp.int32),
        pltpu.VMEM((3, MC, S), jnp.float32),
        pltpu.VMEM((3, MC, S), jnp.float32),
        pltpu.SemaphoreType.DMA,
        pltpu.SemaphoreType.DMA,
    ],
    compiler_params=pltpu.CompilerParams(
        needs_layout_passes=False, skip_device_barrier=True
    ),
)
def _sc_kernel(h_hbm, out_hbm, hv, buf0, buf1, sem0, sem1):
    c = lax.axis_index("c")
    b = lax.axis_index("s")
    bufs = (buf0, buf1)
    sems = (sem0, sem1)

    lanes = lax.iota(jnp.int32, L)
    vzero = jnp.zeros((L,), jnp.float32)
    k0 = jnp.zeros((L,), jnp.int32)

    hcp = pltpu.make_async_copy(h_hbm.at[pl.ds(b * S * N, S * N)], hv, sem0)
    hcp.start()

    def zero_buf(buf):
        def zero_body(m, _):
            for k in range(3):
                for j in range(S // L):
                    buf[k, m, pl.ds(j * L, L)] = vzero
            return 0

        lax.fori_loop(0, MC, zero_body, 0)

    zero_buf(buf0)
    hcp.wait()

    def scatter_phase(buf, m0, val, enable):
        vval = jnp.full((L,), 1.0, jnp.float32) * val

        def n_body(n, _):
            nsplat = k0 + n

            def j_body(j, _):
                svec = lanes + j * L
                h16 = plsc.load_gather(hv, [svec * N + nsplat])
                rel = (h16 & (M - 1)) - m0
                ok = (rel >= 0) & (rel < MC) & enable
                plsc.addupdate_scatter(buf, [k0, rel, svec + 1], vval,
                                       mask=ok & (svec < S - 1))
                plsc.addupdate_scatter(buf, [k0 + 1, rel, svec], vval,
                                       mask=ok)
                plsc.addupdate_scatter(buf, [k0 + 2, rel, svec - 1], vval,
                                       mask=ok & (svec > 0))
                return 0

            lax.fori_loop(0, S // L, j_body, 0)
            return 0

        lax.fori_loop(0, N, n_body, 0)

    def m0_of(i):
        return (c * NCHUNK + i) * MC

    def dma(buf, sem, m0, fire):
        for k in range(3):
            cp = pltpu.make_async_copy(
                buf.at[k],
                out_hbm.at[b, pl.ds(k * M + m0, MC)],
                sem,
            )
            if fire:
                cp.start()
            else:
                cp.wait()

    def chunk_body(i, _):
        m0 = m0_of(i)
        for p in range(2):
            @pl.when(lax.rem(i, 2) == p)
            def _():
                buf, sem = bufs[p], sems[p]

                if p == 1:
                    @pl.when(i == 1)
                    def _():
                        zero_buf(buf1)

                @pl.when(i >= 2)
                def _():
                    dma(buf, sem, m0 - 2 * MC, fire=False)

                def pass_body(t, _):
                    prev = t == 0
                    mm = jnp.where(prev, m0 - 2 * MC, m0)
                    vv = jnp.where(prev, -1.0, 1.0)
                    scatter_phase(buf, mm, vv, jnp.logical_or(t == 1, i >= 2))
                    return 0

                lax.fori_loop(0, 2, pass_body, 0)
                dma(buf, sem, m0, fire=True)
        return 0

    lax.fori_loop(0, NCHUNK, chunk_body, 0)

    for p in range(2):
        dma(bufs[p], sems[p], m0_of(NCHUNK - 2 + p), fire=False)


def kernel(sentencesMinHashes):
    return _sc_kernel(sentencesMinHashes.reshape(-1))

# --- scband reference (transcript-rebuilt; emitter-appended) ---
"""Pipeline reference for scband-projective-layer-37864431682255 (READ-ONLY COPY).

The authoritative reference and input builder live on the scoring server;
editing this copy changes nothing except your own understanding.
"""

import jax, jax.numpy as jnp
import numpy as np

B, S, N, M, W = 16, 128, 4, 2048, 1


def setup_inputs(seed: int = 0) -> dict:
    key = jax.random.key(seed)
    # precomputed per-token min-hashes (the output of MultiHashing + ngram min),
    # values are arbitrary large non-negative ints; forward applies mod M.
    hashes = jax.random.randint(key, (B, S, N), 0, 1000000007, dtype=jnp.int32)
    return {"sentencesMinHashes": hashes}


def reference(sentencesMinHashes):
    # counting_bloom_filter: per (sentence, token) bincount of the N hashes mod M
    Fp = jnp.remainder(sentencesMinHashes, M)  # [B, S, N]
    b_idx = jnp.arange(B)[:, None, None]
    s_idx = jnp.arange(S)[None, :, None]
    counts = jnp.zeros((B, S, M), jnp.float32).at[b_idx, s_idx, Fp].add(1.0)  # scatter-add bincount
    floatCounter = jnp.transpose(counts, (0, 2, 1))  # [B, M, S]

    # moving_window: stack (2W+1) shifted copies along the bloom axis
    segs = []
    # shifts to the right by i = W..1 (zeros enter on the left)
    for i in range(W, 0, -1):
        segs.append(jnp.pad(floatCounter[:, :, : S - i], ((0, 0), (0, 0), (i, 0))))
    # shifts to the left by i = 0..W (zeros enter on the right)
    for i in range(W + 1):
        segs.append(jnp.pad(floatCounter[:, :, i:], ((0, 0), (0, 0), (0, i))))
    movingFloatCounter = jnp.concatenate(segs, axis=1)  # [B, (2W+1)*M, S]
    return movingFloatCounter

if __name__ == "__main__":
    import jax
    _d = setup_inputs()
    print(jax.jit(kernel)(*tuple(_d.values())))

</pallas_src>

<mosaic_0001>
#map = affine_map<(d0, d1) -> (0)>
#map1 = affine_map<(d0, d1) -> (0, 0, 0)>
module attributes {stable_mosaic.version = 14 : i64} {
  func.func @_sc_kernel(%arg0: i32, %arg1: i32, %arg2: memref<8192xi32, #tpu.memory_space<hbm>>, %arg3: memref<16x6144x128xf32, #tpu.memory_space<hbm>>, %arg4: memref<512xi32, #tpu.memory_space<vmem>>, %arg5: memref<3x128x128xf32, #tpu.memory_space<vmem>>, %arg6: memref<3x128x128xf32, #tpu.memory_space<vmem>>, %arg7: memref<!tpu.dma_semaphore, #tpu.memory_space<semaphore_mem>>, %arg8: memref<!tpu.dma_semaphore, #tpu.memory_space<semaphore_mem>>) attributes {dimension_semantics = [#tpu.dimension_semantics<core_parallel>, #tpu.dimension_semantics<subcore_parallel>], iteration_bounds = array<i64: 2, 16>, scalar_prefetch = 0 : i64, scratch_operands = 5 : i64, tpu.core_type = #tpu.core_type<sc_vector_subcore>, window_params = [{transform_indices = #map}, {transform_indices = #map1}]} {
    %iota3A = tpu.iota {dimensions = array<i32: 0>} : vector<16xi32>
    %broadcast_in_dim3A = arith.constant 0.000000e+00 : f32
    %broadcast_in_dim3A_0 = vector.broadcast %broadcast_in_dim3A : f32 to vector<16xf32>
    %broadcast_in_dim3A_1 = arith.constant 0 : i32
    %broadcast_in_dim3A_2 = vector.broadcast %broadcast_in_dim3A_1 : i32 to vector<16xi32>
    %mul3A = arith.constant 128 : i32
    %mul3A_3 = arith.muli %arg1, %mul3A : i32
    %mul3A_4 = arith.constant 4 : i32
    %mul3A_5 = arith.muli %mul3A_3, %mul3A_4 : i32
    %dma_start3A = tpu.memref_slice %arg2[%mul3A_5] : memref<8192xi32, #tpu.memory_space<hbm>> -> memref<512xi32, #tpu.memory_space<hbm>>
    %dma_start3A_6 = tpu.memref_slice %arg2[%mul3A_5] : memref<8192xi32, #tpu.memory_space<hbm>> -> memref<512xi32, #tpu.memory_space<hbm>>
    tpu.enqueue_dma source(%dma_start3A_6 : memref<512xi32, #tpu.memory_space<hbm>>) target(%arg4 : memref<512xi32, #tpu.memory_space<vmem>>) target_semaphore(%arg7 : memref<!tpu.dma_semaphore, #tpu.memory_space<semaphore_mem>>)
    %scan3A = arith.constant 0 : i32
    %scan3A_7 = arith.constant 0 : i32
    %scan3A_8 = arith.constant 128 : i32
    %scan3A_9 = arith.addi %scan3A_7, %scan3A_8 : i32
    %scan3A_10 = arith.constant 1 : i32
    %scan3A_11 = scf.for %scan3A_134 = %scan3A_7 to %scan3A_9 step %scan3A_10 iter_args(%scan3A_135 = %scan3A) -> (i32)  : i32 {
      %swap3A = arith.constant 0 : i32
      %swap3A_136 = arith.index_cast %swap3A : i32 to index
      %swap3A_137 = arith.index_cast %scan3A_134 : i32 to index
      %swap3A_138 = arith.constant 0 : index
      %swap3A_139 = tpu.vector_load %arg5[%swap3A_136, %swap3A_137, %swap3A_138] {strides = array<i32>} : memref<3x128x128xf32, #tpu.memory_space<vmem>>, vector<16xf32>,
      tpu.vector_store %arg5[%swap3A_136, %swap3A_137, %swap3A_138], %broadcast_in_dim3A_0 {strides = array<i32>} : memref<3x128x128xf32, #tpu.memory_space<vmem>>, vector<16xf32>,
      %swap3A_140 = arith.constant 0 : i32
      %swap3A_141 = arith.index_cast %swap3A_140 : i32 to index
      %swap3A_142 = arith.index_cast %scan3A_134 : i32 to index
      %swap3A_143 = arith.constant 16 : index
      %swap3A_144 = tpu.vector_load %arg5[%swap3A_141, %swap3A_142, %swap3A_143] {strides = array<i32>} : memref<3x128x128xf32, #tpu.memory_space<vmem>>, vector<16xf32>,
      tpu.vector_store %arg5[%swap3A_141, %swap3A_142, %swap3A_143], %broadcast_in_dim3A_0 {strides = array<i32>} : memref<3x128x128xf32, #tpu.memory_space<vmem>>, vector<16xf32>,
      %swap3A_145 = arith.constant 0 : i32
      %swap3A_146 = arith.index_cast %swap3A_145 : i32 to index
      %swap3A_147 = arith.index_cast %scan3A_134 : i32 to index
      %swap3A_148 = arith.constant 32 : index
      %swap3A_149 = tpu.vector_load %arg5[%swap3A_146, %swap3A_147, %swap3A_148] {strides = array<i32>} : memref<3x128x128xf32, #tpu.memory_space<vmem>>, vector<16xf32>,
      tpu.vector_store %arg5[%swap3A_146, %swap3A_147, %swap3A_148], %broadcast_in_dim3A_0 {strides = array<i32>} : memref<3x128x128xf32, #tpu.memory_space<vmem>>, vector<16xf32>,
      %swap3A_150 = arith.constant 0 : i32
      %swap3A_151 = arith.index_cast %swap3A_150 : i32 to index
      %swap3A_152 = arith.index_cast %scan3A_134 : i32 to index
      %swap3A_153 = arith.constant 48 : index
      %swap3A_154 = tpu.vector_load %arg5[%swap3A_151, %swap3A_152, %swap3A_153] {strides = array<i32>} : memref<3x128x128xf32, #tpu.memory_space<vmem>>, vector<16xf32>,
      tpu.vector_store %arg5[%swap3A_151, %swap3A_152, %swap3A_153], %broadcast_in_dim3A_0 {strides = array<i32>} : memref<3x128x128xf32, #tpu.memory_space<vmem>>, vector<16xf32>,
      %swap3A_155 = arith.constant 0 : i32
      %swap3A_156 = arith.index_cast %swap3A_155 : i32 to index
      %swap3A_157 = arith.index_cast %scan3A_134 : i32 to index
      %swap3A_158 = arith.constant 64 : index
      %swap3A_159 = tpu.vector_load %arg5[%swap3A_156, %swap3A_157, %swap3A_158] {strides = array<i32>} : memref<3x128x128xf32, #tpu.memory_space<vmem>>, vector<16xf32>,
      tpu.vector_store %arg5[%swap3A_156, %swap3A_157, %swap3A_158], %broadcast_in_dim3A_0 {strides = array<i32>} : memref<3x128x128xf32, #tpu.memory_space<vmem>>, vector<16xf32>,
      %swap3A_160 = arith.constant 0 : i32
      %swap3A_161 = arith.index_cast %swap3A_160 : i32 to index
      %swap3A_162 = arith.index_cast %scan3A_134 : i32 to index
      %swap3A_163 = arith.constant 80 : index
      %swap3A_164 = tpu.vector_load %arg5[%swap3A_161, %swap3A_162, %swap3A_163] {strides = array<i32>} : memref<3x128x128xf32, #tpu.memory_space<vmem>>, vector<16xf32>,
      tpu.vector_store %arg5[%swap3A_161, %swap3A_162, %swap3A_163], %broadcast_in_dim3A_0 {strides = array<i32>} : memref<3x128x128xf32, #tpu.memory_space<vmem>>, vector<16xf32>,
      %swap3A_165 = arith.constant 0 : i32
      %swap3A_166 = arith.index_cast %swap3A_165 : i32 to index
      %swap3A_167 = arith.index_cast %scan3A_134 : i32 to index
      %swap3A_168 = arith.constant 96 : index
      %swap3A_169 = tpu.vector_load %arg5[%swap3A_166, %swap3A_167, %swap3A_168] {strides = array<i32>} : memref<3x128x128xf32, #tpu.memory_space<vmem>>, vector<16xf32>,
      tpu.vector_store %arg5[%swap3A_166, %swap3A_167, %swap3A_168], %broadcast_in_dim3A_0 {strides = array<i32>} : memref<3x128x128xf32, #tpu.memory_space<vmem>>, vector<16xf32>,
      %swap3A_170 = arith.constant 0 : i32
      %swap3A_171 = arith.index_cast %swap3A_170 : i32 to index
      %swap3A_172 = arith.index_cast %scan3A_134 : i32 to index
      %swap3A_173 = arith.constant 112 : index
      %swap3A_174 = tpu.vector_load %arg5[%swap3A_171, %swap3A_172, %swap3A_173] {strides = array<i32>} : memref<3x128x128xf32, #tpu.memory_space<vmem>>, vector<16xf32>,
      tpu.vector_store %arg5[%swap3A_171, %swap3A_172, %swap3A_173], %broadcast_in_dim3A_0 {strides = array<i32>} : memref<3x128x128xf32, #tpu.memory_space<vmem>>, vector<16xf32>,
      %swap3A_175 = arith.constant 1 : i32
      %swap3A_176 = arith.index_cast %swap3A_175 : i32 to index
      %swap3A_177 = arith.index_cast %scan3A_134 : i32 to index
      %swap3A_178 = arith.constant 0 : index
      %swap3A_179 = tpu.vector_load %arg5[%swap3A_176, %swap3A_177, %swap3A_178] {strides = array<i32>} : memref<3x128x128xf32, #tpu.memory_space<vmem>>, vector<16xf32>,
      tpu.vector_store %arg5[%swap3A_176, %swap3A_177, %swap3A_178], %broadcast_in_dim3A_0 {strides = array<i32>} : memref<3x128x128xf32, #tpu.memory_space<vmem>>, vector<16xf32>,
      %swap3A_180 = arith.constant 1 : i32
      %swap3A_181 = arith.index_cast %swap3A_180 : i32 to index
      %swap3A_182 = arith.index_cast %scan3A_134 : i32 to index
      %swap3A_183 = arith.constant 16 : index
      %swap3A_184 = tpu.vector_load %arg5[%swap3A_181, %swap3A_182, %swap3A_183] {strides = array<i32>} : memref<3x128x128xf32, #tpu.memory_space<vmem>>, vector<16xf32>,
      tpu.vector_store %arg5[%swap3A_181, %swap3A_182, %swap3A_183], %broadcast_in_dim3A_0 {strides = array<i32>} : memref<3x128x128xf32, #tpu.memory_space<vmem>>, vector<16xf32>,
      %swap3A_185 = arith.constant 1 : i32
      %swap3A_186 = arith.index_cast %swap3A_185 : i32 to index
      %swap3A_187 = arith.index_cast %scan3A_134 : i32 to index
      %swap3A_188 = arith.constant 32 : index
      %swap3A_189 = tpu.vector_load %arg5[%swap3A_186, %swap3A_187, %swap3A_188] {strides = array<i32>} : memref<3x128x128xf32, #tpu.memory_space<vmem>>, vector<16xf32>,
      tpu.vector_store %arg5[%swap3A_186, %swap3A_187, %swap3A_188], %broadcast_in_dim3A_0 {strides = array<i32>} : memref<3x128x128xf32, #tpu.memory_space<vmem>>, vector<16xf32>,
      %swap3A_190 = arith.constant 1 : i32
      %swap3A_191 = arith.index_cast %swap3A_190 : i32 to index
      %swap3A_192 = arith.index_cast %scan3A_134 : i32 to index
      %swap3A_193 = arith.constant 48 : index
      %swap3A_194 = tpu.vector_load %arg5[%swap3A_191, %swap3A_192, %swap3A_193] {strides = array<i32>} : memref<3x128x128xf32, #tpu.memory_space<vmem>>, vector<16xf32>,
      tpu.vector_store %arg5[%swap3A_191, %swap3A_192, %swap3A_193], %broadcast_in_dim3A_0 {strides = array<i32>} : memref<3x128x128xf32, #tpu.memory_space<vmem>>, vector<16xf32>,
      %swap3A_195 = arith.constant 1 : i32
      %swap3A_196 = arith.index_cast %swap3A_195 : i32 to index
      %swap3A_197 = arith.index_cast %scan3A_134 : i32 to index
      %swap3A_198 = arith.constant 64 : index
      %swap3A_199 = tpu.vector_load %arg5[%swap3A_196, %swap3A_197, %swap3A_198] {strides = array<i32>} : memref<3x128x128xf32, #tpu.memory_space<vmem>>, vector<16xf32>,
      tpu.vector_store %arg5[%swap3A_196, %swap3A_197, %swap3A_198], %broadcast_in_dim3A_0 {strides = array<i32>} : memref<3x128x128xf32, #tpu.memory_space<vmem>>, vector<16xf32>,
      %swap3A_200 = arith.constant 1 : i32
      %swap3A_201 = arith.index_cast %swap3A_200 : i32 to index
      %swap3A_202 = arith.index_cast %scan3A_134 : i32 to index
      %swap3A_203 = arith.constant 80 : index
      %swap3A_204 = tpu.vector_load %arg5[%swap3A_201, %swap3A_202, %swap3A_203] {strides = array<i32>} : memref<3x128x128xf32, #tpu.memory_space<vmem>>, vector<16xf32>,
      tpu.vector_store %arg5[%swap3A_201, %swap3A_202, %swap3A_203], %broadcast_in_dim3A_0 {strides = array<i32>} : memref<3x128x128xf32, #tpu.memory_space<vmem>>, vector<16xf32>,
      %swap3A_205 = arith.constant 1 : i32
      %swap3A_206 = arith.index_cast %swap3A_205 : i32 to index
      %swap3A_207 = arith.index_cast %scan3A_134 : i32 to index
      %swap3A_208 = arith.constant 96 : index
      %swap3A_209 = tpu.vector_load %arg5[%swap3A_206, %swap3A_207, %swap3A_208] {strides = array<i32>} : memref<3x128x128xf32, #tpu.memory_space<vmem>>, vector<16xf32>,
      tpu.vector_store %arg5[%swap3A_206, %swap3A_207, %swap3A_208], %broadcast_in_dim3A_0 {strides = array<i32>} : memref<3x128x128xf32, #tpu.memory_space<vmem>>, vector<16xf32>,
      %swap3A_210 = arith.constant 1 : i32
      %swap3A_211 = arith.index_cast %swap3A_210 : i32 to index
      %swap3A_212 = arith.index_cast %scan3A_134 : i32 to index
      %swap3A_213 = arith.constant 112 : index
      %swap3A_214 = tpu.vector_load %arg5[%swap3A_211, %swap3A_212, %swap3A_213] {strides = array<i32>} : memref<3x128x128xf32, #tpu.memory_space<vmem>>, vector<16xf32>,
      tpu.vector_store %arg5[%swap3A_211, %swap3A_212, %swap3A_213], %broadcast_in_dim3A_0 {strides = array<i32>} : memref<3x128x128xf32, #tpu.memory_space<vmem>>, vector<16xf32>,
      %swap3A_215 = arith.constant 2 : i32
      %swap3A_216 = arith.index_cast %swap3A_215 : i32 to index
      %swap3A_217 = arith.index_cast %scan3A_134 : i32 to index
      %swap3A_218 = arith.constant 0 : index
      %swap3A_219 = tpu.vector_load %arg5[%swap3A_216, %swap3A_217, %swap3A_218] {strides = array<i32>} : memref<3x128x128xf32, #tpu.memory_space<vmem>>, vector<16xf32>,
      tpu.vector_store %arg5[%swap3A_216, %swap3A_217, %swap3A_218], %broadcast_in_dim3A_0 {strides = array<i32>} : memref<3x128x128xf32, #tpu.memory_space<vmem>>, vector<16xf32>,
      %swap3A_220 = arith.constant 2 : i32
      %swap3A_221 = arith.index_cast %swap3A_220 : i32 to index
      %swap3A_222 = arith.index_cast %scan3A_134 : i32 to index
      %swap3A_223 = arith.constant 16 : index
      %swap3A_224 = tpu.vector_load %arg5[%swap3A_221, %swap3A_222, %swap3A_223] {strides = array<i32>} : memref<3x128x128xf32, #tpu.memory_space<vmem>>, vector<16xf32>,
      tpu.vector_store %arg5[%swap3A_221, %swap3A_222, %swap3A_223], %broadcast_in_dim3A_0 {strides = array<i32>} : memref<3x128x128xf32, #tpu.memory_space<vmem>>, vector<16xf32>,
      %swap3A_225 = arith.constant 2 : i32
      %swap3A_226 = arith.index_cast %swap3A_225 : i32 to index
      %swap3A_227 = arith.index_cast %scan3A_134 : i32 to index
      %swap3A_228 = arith.constant 32 : index
      %swap3A_229 = tpu.vector_load %arg5[%swap3A_226, %swap3A_227, %swap3A_228] {strides = array<i32>} : memref<3x128x128xf32, #tpu.memory_space<vmem>>, vector<16xf32>,
      tpu.vector_store %arg5[%swap3A_226, %swap3A_227, %swap3A_228], %broadcast_in_dim3A_0 {strides = array<i32>} : memref<3x128x128xf32, #tpu.memory_space<vmem>>, vector<16xf32>,
      %swap3A_230 = arith.constant 2 : i32
      %swap3A_231 = arith.index_cast %swap3A_230 : i32 to index
      %swap3A_232 = arith.index_cast %scan3A_134 : i32 to index
      %swap3A_233 = arith.constant 48 : index
      %swap3A_234 = tpu.vector_load %arg5[%swap3A_231, %swap3A_232, %swap3A_233] {strides = array<i32>} : memref<3x128x128xf32, #tpu.memory_space<vmem>>, vector<16xf32>,
      tpu.vector_store %arg5[%swap3A_231, %swap3A_232, %swap3A_233], %broadcast_in_dim3A_0 {strides = array<i32>} : memref<3x128x128xf32, #tpu.memory_space<vmem>>, vector<16xf32>,
      %swap3A_235 = arith.constant 2 : i32
      %swap3A_236 = arith.index_cast %swap3A_235 : i32 to index
      %swap3A_237 = arith.index_cast %scan3A_134 : i32 to index
      %swap3A_238 = arith.constant 64 : index
      %swap3A_239 = tpu.vector_load %arg5[%swap3A_236, %swap3A_237, %swap3A_238] {strides = array<i32>} : memref<3x128x128xf32, #tpu.memory_space<vmem>>, vector<16xf32>,
      tpu.vector_store %arg5[%swap3A_236, %swap3A_237, %swap3A_238], %broadcast_in_dim3A_0 {strides = array<i32>} : memref<3x128x128xf32, #tpu.memory_space<vmem>>, vector<16xf32>,
      %swap3A_240 = arith.constant 2 : i32
      %swap3A_241 = arith.index_cast %swap3A_240 : i32 to index
      %swap3A_242 = arith.index_cast %scan3A_134 : i32 to index
      %swap3A_243 = arith.constant 80 : index
      %swap3A_244 = tpu.vector_load %arg5[%swap3A_241, %swap3A_242, %swap3A_243] {strides = array<i32>} : memref<3x128x128xf32, #tpu.memory_space<vmem>>, vector<16xf32>,
      tpu.vector_store %arg5[%swap3A_241, %swap3A_242, %swap3A_243], %broadcast_in_dim3A_0 {strides = array<i32>} : memref<3x128x128xf32, #tpu.memory_space<vmem>>, vector<16xf32>,
      %swap3A_245 = arith.constant 2 : i32
      %swap3A_246 = arith.index_cast %swap3A_245 : i32 to index
      %swap3A_247 = arith.index_cast %scan3A_134 : i32 to index
      %swap3A_248 = arith.constant 96 : index
      %swap3A_249 = tpu.vector_load %arg5[%swap3A_246, %swap3A_247, %swap3A_248] {strides = array<i32>} : memref<3x128x128xf32, #tpu.memory_space<vmem>>, vector<16xf32>,
      tpu.vector_store %arg5[%swap3A_246, %swap3A_247, %swap3A_248], %broadcast_in_dim3A_0 {strides = array<i32>} : memref<3x128x128xf32, #tpu.memory_space<vmem>>, vector<16xf32>,
      %swap3A_250 = arith.constant 2 : i32
      %swap3A_251 = arith.index_cast %swap3A_250 : i32 to index
      %swap3A_252 = arith.index_cast %scan3A_134 : i32 to index
      %swap3A_253 = arith.constant 112 : index
      %swap3A_254 = tpu.vector_load %arg5[%swap3A_251, %swap3A_252, %swap3A_253] {strides = array<i32>} : memref<3x128x128xf32, #tpu.memory_space<vmem>>, vector<16xf32>,
      tpu.vector_store %arg5[%swap3A_251, %swap3A_252, %swap3A_253], %broadcast_in_dim3A_0 {strides = array<i32>} : memref<3x128x128xf32, #tpu.memory_space<vmem>>, vector<16xf32>,
      %scan3A_255 = arith.constant 0 : i32
      scf.yield %scan3A_255 : i32
    }
    %scan3A_12 = arith.constant 128 : i32
    %dma_wait3A = tpu.memref_slice %arg2[%mul3A_5] : memref<8192xi32, #tpu.memory_space<hbm>> -> memref<512xi32, #tpu.memory_space<hbm>>
    %dma_wait3A_13 = tpu.memref_slice %arg2[%mul3A_5] : memref<8192xi32, #tpu.memory_space<hbm>> -> memref<512xi32, #tpu.memory_space<hbm>>
    tpu.wait_dma2 semaphore(%arg7 : memref<!tpu.dma_semaphore, #tpu.memory_space<semaphore_mem>>) src(%dma_wait3A_13 : memref<512xi32, #tpu.memory_space<hbm>>) dst(%arg4 : memref<512xi32, #tpu.memory_space<vmem>>)
    %scan3A_14 = arith.constant 0 : i32
    %scan3A_15 = arith.constant 0 : i32
    %scan3A_16 = arith.constant 8 : i32
    %scan3A_17 = arith.addi %scan3A_15, %scan3A_16 : i32
    %scan3A_18 = arith.constant 1 : i32
    %scan3A_19 = scf.for %scan3A_134 = %scan3A_15 to %scan3A_17 step %scan3A_18 iter_args(%scan3A_135 = %scan3A_14) -> (i32)  : i32 {
      %mul3A_136 = arith.constant 8 : i32
      %mul3A_137 = arith.muli %arg0, %mul3A_136 : i32
      %add3A_138 = arith.addi %mul3A_137, %scan3A_134 : i32
      %mul3A_139 = arith.constant 128 : i32
      %mul3A_140 = arith.muli %add3A_138, %mul3A_139 : i32
      %rem3A = arith.constant 2 : i32
      %rem3A_141 = arith.remsi %scan3A_134, %rem3A : i32
      %eq3A = arith.constant 0 : i32
      %eq3A_142 = arith.cmpi eq, %rem3A_141, %eq3A : i32
      %convert_element_type3A = arith.extui %eq3A_142 : i1 to i32
      %cond3A = arith.constant 0 : i32
      %cond3A_143 = arith.cmpi ne, %convert_element_type3A, %cond3A : i32
      scf.if %cond3A_143 {
        %ge3A = arith.constant 2 : i32
        %ge3A_152 = arith.cmpi sge, %scan3A_134, %ge3A : i32
        %convert_element_type3A_153 = arith.extui %ge3A_152 : i1 to i32
        %cond3A_154 = arith.constant 0 : i32
        %cond3A_155 = arith.cmpi ne, %convert_element_type3A_153, %cond3A_154 : i32
        scf.if %cond3A_155 {
          %sub3A = arith.constant 256 : i32
          %sub3A_214 = arith.subi %mul3A_140, %sub3A : i32
          %add3A_215 = arith.constant 0 : i32
          %add3A_216 = arith.addi %add3A_215, %sub3A_214 : i32
          %dma_wait3A_217 = arith.constant 0 : i32
          %dma_wait3A_218 = arith.constant 0 : i32
          %dma_wait3A_219 = arith.constant 0 : i32
          %dma_wait3A_220 = tpu.memref_slice %arg5[%dma_wait3A_217, %dma_wait3A_218, %dma_wait3A_219] : memref<3x128x128xf32, #tpu.memory_space<vmem>> -> memref<1x128x128xf32, #tpu.memory_space<vmem>>
          %dma_wait3A_221 = tpu.memref_squeeze %dma_wait3A_220 : memref<1x128x128xf32, #tpu.memory_space<vmem>> -> memref<128x128xf32, #tpu.memory_space<vmem>>
          %dma_wait3A_222 = arith.constant 0 : i32
          %dma_wait3A_223 = tpu.memref_slice %arg3[%arg1, %add3A_216, %dma_wait3A_222] : memref<16x6144x128xf32, #tpu.memory_space<hbm>> -> memref<1x128x128xf32, #tpu.memory_space<hbm>>
          %dma_wait3A_224 = tpu.memref_squeeze %dma_wait3A_223 : memref<1x128x128xf32, #tpu.memory_space<hbm>> -> memref<128x128xf32, #tpu.memory_space<hbm>>
          %dma_wait3A_225 = arith.constant 0 : i32
          %dma_wait3A_226 = tpu.memref_slice %arg3[%arg1, %add3A_216, %dma_wait3A_225] : memref<16x6144x128xf32, #tpu.memory_space<hbm>> -> memref<1x128x128xf32, #tpu.memory_space<hbm>>
          %dma_wait3A_227 = tpu.memref_squeeze %dma_wait3A_226 : memref<1x128x128xf32, #tpu.memory_space<hbm>> -> memref<128x128xf32, #tpu.memory_space<hbm>>
          %dma_wait3A_228 = arith.constant 0 : i32
          %dma_wait3A_229 = arith.constant 0 : i32
          %dma_wait3A_230 = tpu.memref_slice %arg5[%dma_wait3A_217, %dma_wait3A_228, %dma_wait3A_229] : memref<3x128x128xf32, #tpu.memory_space<vmem>> -> memref<1x128x128xf32, #tpu.memory_space<vmem>>
          %dma_wait3A_231 = tpu.memref_squeeze %dma_wait3A_230 : memref<1x128x128xf32, #tpu.memory_space<vmem>> -> memref<128x128xf32, #tpu.memory_space<vmem>>
          tpu.wait_dma2 semaphore(%arg7 : memref<!tpu.dma_semaphore, #tpu.memory_space<semaphore_mem>>) src(%dma_wait3A_231 : memref<128x128xf32, #tpu.memory_space<vmem>>) dst(%dma_wait3A_227 : memref<128x128xf32, #tpu.memory_space<hbm>>)
          %add3A_232 = arith.constant 2048 : i32
          %add3A_233 = arith.addi %add3A_232, %sub3A_214 : i32
          %dma_wait3A_234 = arith.constant 1 : i32
          %dma_wait3A_235 = arith.constant 0 : i32
          %dma_wait3A_236 = arith.constant 0 : i32
          %dma_wait3A_237 = tpu.memref_slice %arg5[%dma_wait3A_234, %dma_wait3A_235, %dma_wait3A_236] : memref<3x128x128xf32, #tpu.memory_space<vmem>> -> memref<1x128x128xf32, #tpu.memory_space<vmem>>
          %dma_wait3A_238 = tpu.memref_squeeze %dma_wait3A_237 : memref<1x128x128xf32, #tpu.memory_space<vmem>> -> memref<128x128xf32, #tpu.memory_space<vmem>>
          %dma_wait3A_239 = arith.constant 0 : i32
          %dma_wait3A_240 = tpu.memref_slice %arg3[%arg1, %add3A_233, %dma_wait3A_239] : memref<16x6144x128xf32, #tpu.memory_space<hbm>> -> memref<1x128x128xf32, #tpu.memory_space<hbm>>
          %dma_wait3A_241 = tpu.memref_squeeze %dma_wait3A_240 : memref<1x128x128xf32, #tpu.memory_space<hbm>> -> memref<128x128xf32, #tpu.memory_space<hbm>>
          %dma_wait3A_242 = arith.constant 0 : i32
          %dma_wait3A_243 = tpu.memref_slice %arg3[%arg1, %add3A_233, %dma_wait3A_242] : memref<16x6144x128xf32, #tpu.memory_space<hbm>> -> memref<1x128x128xf32, #tpu.memory_space<hbm>>
          %dma_wait3A_244 = tpu.memref_squeeze %dma_wait3A_243 : memref<1x128x128xf32, #tpu.memory_space<hbm>> -> memref<128x128xf32, #tpu.memory_space<hbm>>
          %dma_wait3A_245 = arith.constant 0 : i32
          %dma_wait3A_246 = arith.constant 0 : i32
          %dma_wait3A_247 = tpu.memref_slice %arg5[%dma_wait3A_234, %dma_wait3A_245, %dma_wait3A_246] : memref<3x128x128xf32, #tpu.memory_space<vmem>> -> memref<1x128x128xf32, #tpu.memory_space<vmem>>
          %dma_wait3A_248 = tpu.memref_squeeze %dma_wait3A_247 : memref<1x128x128xf32, #tpu.memory_space<vmem>> -> memref<128x128xf32, #tpu.memory_space<vmem>>
          tpu.wait_dma2 semaphore(%arg7 : memref<!tpu.dma_semaphore, #tpu.memory_space<semaphore_mem>>) src(%dma_wait3A_248 : memref<128x128xf32, #tpu.memory_space<vmem>>) dst(%dma_wait3A_244 : memref<128x128xf32, #tpu.memory_space<hbm>>)
          %add3A_249 = arith.constant 4096 : i32
          %add3A_250 = arith.addi %add3A_249, %sub3A_214 : i32
          %dma_wait3A_251 = arith.constant 2 : i32
          %dma_wait3A_252 = arith.constant 0 : i32
          %dma_wait3A_253 = arith.constant 0 : i32
          %dma_wait3A_254 = tpu.memref_slice %arg5[%dma_wait3A_251, %dma_wait3A_252, %dma_wait3A_253] : memref<3x128x128xf32, #tpu.memory_space<vmem>> -> memref<1x128x128xf32, #tpu.memory_space<vmem>>
          %dma_wait3A_255 = tpu.memref_squeeze %dma_wait3A_254 : memref<1x128x128xf32, #tpu.memory_space<vmem>> -> memref<128x128xf32, #tpu.memory_space<vmem>>
          %dma_wait3A_256 = arith.constant 0 : i32
          %dma_wait3A_257 = tpu.memref_slice %arg3[%arg1, %add3A_250, %dma_wait3A_256] : memref<16x6144x128xf32, #tpu.memory_space<hbm>> -> memref<1x128x128xf32, #tpu.memory_space<hbm>>
          %dma_wait3A_258 = tpu.memref_squeeze %dma_wait3A_257 : memref<1x128x128xf32, #tpu.memory_space<hbm>> -> memref<128x128xf32, #tpu.memory_space<hbm>>
          %dma_wait3A_259 = arith.constant 0 : i32
          %dma_wait3A_260 = tpu.memref_slice %arg3[%arg1, %add3A_250, %dma_wait3A_259] : memref<16x6144x128xf32, #tpu.memory_space<hbm>> -> memref<1x128x128xf32, #tpu.memory_space<hbm>>
          %dma_wait3A_261 = tpu.memref_squeeze %dma_wait3A_260 : memref<1x128x128xf32, #tpu.memory_space<hbm>> -> memref<128x128xf32, #tpu.memory_space<hbm>>
          %dma_wait3A_262 = arith.constant 0 : i32
          %dma_wait3A_263 = arith.constant 0 : i32
          %dma_wait3A_264 = tpu.memref_slice %arg5[%dma_wait3A_251, %dma_wait3A_262, %dma_wait3A_263] : memref<3x128x128xf32, #tpu.memory_space<vmem>> -> memref<1x128x128xf32, #tpu.memory_space<vmem>>
          %dma_wait3A_265 = tpu.memref_squeeze %dma_wait3A_264 : memref<1x128x128xf32, #tpu.memory_space<vmem>> -> memref<128x128xf32, #tpu.memory_space<vmem>>
          tpu.wait_dma2 semaphore(%arg7 : memref<!tpu.dma_semaphore, #tpu.memory_space<semaphore_mem>>) src(%dma_wait3A_265 : memref<128x128xf32, #tpu.memory_space<vmem>>) dst(%dma_wait3A_261 : memref<128x128xf32, #tpu.memory_space<hbm>>)
        } else {
        }
        %scan3A_156 = arith.constant 0 : i32
        %scan3A_157 = arith.constant 0 : i32
        %scan3A_158 = arith.constant 2 : i32
        %scan3A_159 = arith.addi %scan3A_157, %scan3A_158 : i32
        %scan3A_160 = arith.constant 1 : i32
        %scan3A_161 = scf.for %scan3A_214 = %scan3A_157 to %scan3A_159 step %scan3A_160 iter_args(%scan3A_215 = %scan3A_156) -> (i32)  : i32 {
          %eq3A_216 = arith.constant 0 : i32
          %eq3A_217 = arith.cmpi eq, %scan3A_214, %eq3A_216 : i32
          %sub3A = arith.constant 256 : i32
          %sub3A_218 = arith.subi %mul3A_140, %sub3A : i32
          %select_n3A = arith.select %eq3A_217, %sub3A_218, %mul3A_140 : i32
          %jit3A = arith.constant -1.000000e+00 : f32
          %jit3A_219 = arith.constant 1.000000e+00 : f32
          %select_n3A_220 = arith.select %eq3A_217, %jit3A, %jit3A_219 : f32
          %eq3A_221 = arith.constant 1 : i32
          %eq3A_222 = arith.cmpi eq, %scan3A_214, %eq3A_221 : i32
          %ge3A_223 = arith.constant 2 : i32
          %ge3A_224 = arith.cmpi sge, %scan3A_134, %ge3A_223 : i32
          %or3A = arith.ori %eq3A_222, %ge3A_224 : i1
          %broadcast_in_dim3A_225 = arith.constant 1.000000e+00 : f32
          %broadcast_in_dim3A_226 = vector.broadcast %broadcast_in_dim3A_225 : f32 to vector<16xf32>
          %mul3A_227 = vector.broadcast %select_n3A_220 : f32 to vector<16xf32>
          %mul3A_228 = arith.mulf %broadcast_in_dim3A_226, %mul3A_227 : vector<16xf32>
          %scan3A_229 = arith.constant 0 : i32
          %scan3A_230 = arith.constant 0 : i32
          %scan3A_231 = arith.constant 4 : i32
          %scan3A_232 = arith.addi %scan3A_230, %scan3A_231 : i32
          %scan3A_233 = arith.constant 1 : i32
          %scan3A_234 = scf.for %scan3A_237 = %scan3A_230 to %scan3A_232 step %scan3A_233 iter_args(%scan3A_238 = %scan3A_229) -> (i32)  : i32 {
            %add3A_239 = vector.broadcast %scan3A_237 : i32 to vector<16xi32>
            %add3A_240 = arith.addi %broadcast_in_dim3A_2, %add3A_239 : vector<16xi32>
            %scan3A_241 = arith.constant 0 : i32
            %scan3A_242 = arith.constant 0 : i32
            %scan3A_243 = arith.constant 8 : i32
            %scan3A_244 = arith.addi %scan3A_242, %scan3A_243 : i32
            %scan3A_245 = arith.constant 1 : i32
            %scan3A_246 = scf.for %scan3A_249 = %scan3A_242 to %scan3A_244 step %scan3A_245 iter_args(%scan3A_250 = %scan3A_241) -> (i32)  : i32 {
              %mul3A_251 = arith.constant 16 : i32
              %mul3A_252 = arith.muli %scan3A_249, %mul3A_251 : i32
              %add3A_253 = vector.broadcast %mul3A_252 : i32 to vector<16xi32>
              %add3A_254 = arith.addi %iota3A, %add3A_253 : vector<16xi32>
              %mul3A_255 = arith.constant 4 : i32
              %mul3A_256 = vector.broadcast %mul3A_255 : i32 to vector<16xi32>
              %mul3A_257 = arith.muli %add3A_254, %mul3A_256 : vector<16xi32>
              %add3A_258 = arith.addi %mul3A_257, %add3A_240 : vector<16xi32>
              %gather3A = tpu.vector_load_idx %arg4[%add3A_258] : memref<512xi32, #tpu.memory_space<vmem>>[vector<16xi32>], vector<16xi32>,
              %and3A = arith.constant 2047 : i32
              %and3A_259 = vector.broadcast %and3A : i32 to vector<16xi32>
              %and3A_260 = arith.andi %gather3A, %and3A_259 : vector<16xi32>
              %sub3A_261 = vector.broadcast %select_n3A : i32 to vector<16xi32>
              %sub3A_262 = arith.subi %and3A_260, %sub3A_261 : vector<16xi32>
              %ge3A_263 = arith.constant 0 : i32
              %ge3A_264 = vector.broadcast %ge3A_263 : i32 to vector<16xi32>
              %ge3A_265 = arith.cmpi sge, %sub3A_262, %ge3A_264 : vector<16xi32>
              %lt3A = arith.constant 128 : i32
              %lt3A_266 = vector.broadcast %lt3A : i32 to vector<16xi32>
              %lt3A_267 = arith.cmpi slt, %sub3A_262, %lt3A_266 : vector<16xi32>
              %and3A_268 = arith.andi %ge3A_265, %lt3A_267 : vector<16xi1>
              %and3A_269 = vector.broadcast %or3A : i1 to vector<16xi1>
              %and3A_270 = arith.andi %and3A_268, %and3A_269 : vector<16xi1>
              %add3A_271 = arith.constant 1 : i32
              %add3A_272 = vector.broadcast %add3A_271 : i32 to vector<16xi32>
              %add3A_273 = arith.addi %add3A_254, %add3A_272 : vector<16xi32>
              %lt3A_274 = arith.constant 127 : i32
              %lt3A_275 = vector.broadcast %lt3A_274 : i32 to vector<16xi32>
              %lt3A_276 = arith.cmpi slt, %add3A_254, %lt3A_275 : vector<16xi32>
              %and3A_277 = arith.andi %and3A_270, %lt3A_276 : vector<16xi1>
              tpu.vector_store_idx %arg5[%broadcast_in_dim3A_2, %sub3A_262, %add3A_273], %mul3A_228 masked %and3A_277 {add = true} : memref<3x128x128xf32, #tpu.memory_space<vmem>>[vector<16xi32>, vector<16xi32>, vector<16xi32>], vector<16xf32>, vector<16xi1>
              %add3A_278 = arith.constant 1 : i32
              %add3A_279 = vector.broadcast %add3A_278 : i32 to vector<16xi32>
              %add3A_280 = arith.addi %broadcast_in_dim3A_2, %add3A_279 : vector<16xi32>
              tpu.vector_store_idx %arg5[%add3A_280, %sub3A_262, %add3A_254], %mul3A_228 masked %and3A_270 {add = true} : memref<3x128x128xf32, #tpu.memory_space<vmem>>[vector<16xi32>, vector<16xi32>, vector<16xi32>], vector<16xf32>, vector<16xi1>
              %add3A_281 = arith.constant 2 : i32
              %add3A_282 = vector.broadcast %add3A_281 : i32 to vector<16xi32>
              %add3A_283 = arith.addi %broadcast_in_dim3A_2, %add3A_282 : vector<16xi32>
              %sub3A_284 = arith.constant 1 : i32
              %sub3A_285 = vector.broadcast %sub3A_284 : i32 to vector<16xi32>
              %sub3A_286 = arith.subi %add3A_254, %sub3A_285 : vector<16xi32>
              %gt3A = arith.constant 0 : i32
              %gt3A_287 = vector.broadcast %gt3A : i32 to vector<16xi32>
              %gt3A_288 = arith.cmpi sgt, %add3A_254, %gt3A_287 : vector<16xi32>
              %and3A_289 = arith.andi %and3A_270, %gt3A_288 : vector<16xi1>
              tpu.vector_store_idx %arg5[%add3A_283, %sub3A_262, %sub3A_286], %mul3A_228 masked %and3A_289 {add = true} : memref<3x128x128xf32, #tpu.memory_space<vmem>>[vector<16xi32>, vector<16xi32>, vector<16xi32>], vector<16xf32>, vector<16xi1>
              %scan3A_290 = arith.constant 0 : i32
              scf.yield %scan3A_290 : i32
            }
            %scan3A_247 = arith.constant 8 : i32
            %scan3A_248 = arith.constant 0 : i32
            scf.yield %scan3A_248 : i32
          }
          %scan3A_235 = arith.constant 4 : i32
          %scan3A_236 = arith.constant 0 : i32
          scf.yield %scan3A_236 : i32
        }
        %scan3A_162 = arith.constant 2 : i32
        %add3A_163 = arith.constant 0 : i32
        %add3A_164 = arith.addi %add3A_163, %mul3A_140 : i32
        %dma_start3A_165 = arith.constant 0 : i32
        %dma_start3A_166 = arith.constant 0 : i32
        %dma_start3A_167 = arith.constant 0 : i32
        %dma_start3A_168 = tpu.memref_slice %arg5[%dma_start3A_165, %dma_start3A_166, %dma_start3A_167] : memref<3x128x128xf32, #tpu.memory_space<vmem>> -> memref<1x128x128xf32, #tpu.memory_space<vmem>>
        %dma_start3A_169 = tpu.memref_squeeze %dma_start3A_168 : memref<1x128x128xf32, #tpu.memory_space<vmem>> -> memref<128x128xf32, #tpu.memory_space<vmem>>
        %dma_start3A_170 = arith.constant 0 : i32
        %dma_start3A_171 = tpu.memref_slice %arg3[%arg1, %add3A_164, %dma_start3A_170] : memref<16x6144x128xf32, #tpu.memory_space<hbm>> -> memref<1x128x128xf32, #tpu.memory_space<hbm>>
        %dma_start3A_172 = tpu.memref_squeeze %dma_start3A_171 : memref<1x128x128xf32, #tpu.memory_space<hbm>> -> memref<128x128xf32, #tpu.memory_space<hbm>>
        %dma_start3A_173 = arith.constant 0 : i32
        %dma_start3A_174 = tpu.memref_slice %arg3[%arg1, %add3A_164, %dma_start3A_173] : memref<16x6144x128xf32, #tpu.memory_space<hbm>> -> memref<1x128x128xf32, #tpu.memory_space<hbm>>
        %dma_start3A_175 = tpu.memref_squeeze %dma_start3A_174 : memref<1x128x128xf32, #tpu.memory_space<hbm>> -> memref<128x128xf32, #tpu.memory_space<hbm>>
        %dma_start3A_176 = arith.constant 0 : i32
        %dma_start3A_177 = arith.constant 0 : i32
        %dma_start3A_178 = tpu.memref_slice %arg5[%dma_start3A_165, %dma_start3A_176, %dma_start3A_177] : memref<3x128x128xf32, #tpu.memory_space<vmem>> -> memref<1x128x128xf32, #tpu.memory_space<vmem>>
        %dma_start3A_179 = tpu.memref_squeeze %dma_start3A_178 : memref<1x128x128xf32, #tpu.memory_space<vmem>> -> memref<128x128xf32, #tpu.memory_space<vmem>>
        tpu.enqueue_dma source(%dma_start3A_179 : memref<128x128xf32, #tpu.memory_space<vmem>>) target(%dma_start3A_175 : memref<128x128xf32, #tpu.memory_space<hbm>>) target_semaphore(%arg7 : memref<!tpu.dma_semaphore, #tpu.memory_space<semaphore_mem>>)
        %add3A_180 = arith.constant 2048 : i32
        %add3A_181 = arith.addi %add3A_180, %mul3A_140 : i32
        %dma_start3A_182 = arith.constant 1 : i32
        %dma_start3A_183 = arith.constant 0 : i32
        %dma_start3A_184 = arith.constant 0 : i32
        %dma_start3A_185 = tpu.memref_slice %arg5[%dma_start3A_182, %dma_start3A_183, %dma_start3A_184] : memref<3x128x128xf32, #tpu.memory_space<vmem>> -> memref<1x128x128xf32, #tpu.memory_space<vmem>>
        %dma_start3A_186 = tpu.memref_squeeze %dma_start3A_185 : memref<1x128x128xf32, #tpu.memory_space<vmem>> -> memref<128x128xf32, #tpu.memory_space<vmem>>
        %dma_start3A_187 = arith.constant 0 : i32
        %dma_start3A_188 = tpu.memref_slice %arg3[%arg1, %add3A_181, %dma_start3A_187] : memref<16x6144x128xf32, #tpu.memory_space<hbm>> -> memref<1x128x128xf32, #tpu.memory_space<hbm>>
        %dma_start3A_189 = tpu.memref_squeeze %dma_start3A_188 : memref<1x128x128xf32, #tpu.memory_space<hbm>> -> memref<128x128xf32, #tpu.memory_space<hbm>>
        %dma_start3A_190 = arith.constant 0 : i32
        %dma_start3A_191 = tpu.memref_slice %arg3[%arg1, %add3A_181, %dma_start3A_190] : memref<16x6144x128xf32, #tpu.memory_space<hbm>> -> memref<1x128x128xf32, #tpu.memory_space<hbm>>
        %dma_start3A_192 = tpu.memref_squeeze %dma_start3A_191 : memref<1x128x128xf32, #tpu.memory_space<hbm>> -> memref<128x128xf32, #tpu.memory_space<hbm>>
        %dma_start3A_193 = arith.constant 0 : i32
        %dma_start3A_194 = arith.constant 0 : i32
        %dma_start3A_195 = tpu.memref_slice %arg5[%dma_start3A_182, %dma_start3A_193, %dma_start3A_194] : memref<3x128x128xf32, #tpu.memory_space<vmem>> -> memref<1x128x128xf32, #tpu.memory_space<vmem>>
        %dma_start3A_196 = tpu.memref_squeeze %dma_start3A_195 : memref<1x128x128xf32, #tpu.memory_space<vmem>> -> memref<128x128xf32, #tpu.memory_space<vmem>>
        tpu.enqueue_dma source(%dma_start3A_196 : memref<128x128xf32, #tpu.memory_space<vmem>>) target(%dma_start3A_192 : memref<128x128xf32, #tpu.memory_space<hbm>>) target_semaphore(%arg7 : memref<!tpu.dma_semaphore, #tpu.memory_space<semaphore_mem>>)
        %add3A_197 = arith.constant 4096 : i32
        %add3A_198 = arith.addi %add3A_197, %mul3A_140 : i32
        %dma_start3A_199 = arith.constant 2 : i32
        %dma_start3A_200 = arith.constant 0 : i32
        %dma_start3A_201 = arith.constant 0 : i32
        %dma_start3A_202 = tpu.memref_slice %arg5[%dma_start3A_199, %dma_start3A_200, %dma_start3A_201] : memref<3x128x128xf32, #tpu.memory_space<vmem>> -> memref<1x128x128xf32, #tpu.memory_space<vmem>>
        %dma_start3A_203 = tpu.memref_squeeze %dma_start3A_202 : memref<1x128x128xf32, #tpu.memory_space<vmem>> -> memref<128x128xf32, #tpu.memory_space<vmem>>
        %dma_start3A_204 = arith.constant 0 : i32
        %dma_start3A_205 = tpu.memref_slice %arg3[%arg1, %add3A_198, %dma_start3A_204] : memref<16x6144x128xf32, #tpu.memory_space<hbm>> -> memref<1x128x128xf32, #tpu.memory_space<hbm>>
        %dma_start3A_206 = tpu.memref_squeeze %dma_start3A_205 : memref<1x128x128xf32, #tpu.memory_space<hbm>> -> memref<128x128xf32, #tpu.memory_space<hbm>>
        %dma_start3A_207 = arith.constant 0 : i32
        %dma_start3A_208 = tpu.memref_slice %arg3[%arg1, %add3A_198, %dma_start3A_207] : memref<16x6144x128xf32, #tpu.memory_space<hbm>> -> memref<1x128x128xf32, #tpu.memory_space<hbm>>
        %dma_start3A_209 = tpu.memref_squeeze %dma_start3A_208 : memref<1x128x128xf32, #tpu.memory_space<hbm>> -> memref<128x128xf32, #tpu.memory_space<hbm>>
        %dma_start3A_210 = arith.constant 0 : i32
        %dma_start3A_211 = arith.constant 0 : i32
        %dma_start3A_212 = tpu.memref_slice %arg5[%dma_start3A_199, %dma_start3A_210, %dma_start3A_211] : memref<3x128x128xf32, #tpu.memory_space<vmem>> -> memref<1x128x128xf32, #tpu.memory_space<vmem>>
        %dma_start3A_213 = tpu.memref_squeeze %dma_start3A_212 : memref<1x128x128xf32, #tpu.memory_space<vmem>> -> memref<128x128xf32, #tpu.memory_space<vmem>>
        tpu.enqueue_dma source(%dma_start3A_213 : memref<128x128xf32, #tpu.memory_space<vmem>>) target(%dma_start3A_209 : memref<128x128xf32, #tpu.memory_space<hbm>>) target_semaphore(%arg7 : memref<!tpu.dma_semaphore, #tpu.memory_space<semaphore_mem>>)
      } else {
      }
      %rem3A_144 = arith.constant 2 : i32
      %rem3A_145 = arith.remsi %scan3A_134, %rem3A_144 : i32
      %eq3A_146 = arith.constant 1 : i32
      %eq3A_147 = arith.cmpi eq, %rem3A_145, %eq3A_146 : i32
      %convert_element_type3A_148 = arith.extui %eq3A_147 : i1 to i32
      %cond3A_149 = arith.constant 0 : i32
      %cond3A_150 = arith.cmpi ne, %convert_element_type3A_148, %cond3A_149 : i32
      scf.if %cond3A_150 {
        %eq3A_152 = arith.constant 1 : i32
        %eq3A_153 = arith.cmpi eq, %scan3A_134, %eq3A_152 : i32
        %convert_element_type3A_154 = arith.extui %eq3A_153 : i1 to i32
        %cond3A_155 = arith.constant 0 : i32
        %cond3A_156 = arith.cmpi ne, %convert_element_type3A_154, %cond3A_155 : i32
        scf.if %cond3A_156 {
          %scan3A_219 = arith.constant 0 : i32
          %scan3A_220 = arith.constant 0 : i32
          %scan3A_221 = arith.constant 128 : i32
          %scan3A_222 = arith.addi %scan3A_220, %scan3A_221 : i32
          %scan3A_223 = arith.constant 1 : i32
          %scan3A_224 = scf.for %scan3A_226 = %scan3A_220 to %scan3A_222 step %scan3A_223 iter_args(%scan3A_227 = %scan3A_219) -> (i32)  : i32 {
            %swap3A = arith.constant 0 : i32
            %swap3A_228 = arith.index_cast %swap3A : i32 to index
            %swap3A_229 = arith.index_cast %scan3A_226 : i32 to index
            %swap3A_230 = arith.constant 0 : index
            %swap3A_231 = tpu.vector_load %arg6[%swap3A_228, %swap3A_229, %swap3A_230] {strides = array<i32>} : memref<3x128x128xf32, #tpu.memory_space<vmem>>, vector<16xf32>,
            tpu.vector_store %arg6[%swap3A_228, %swap3A_229, %swap3A_230], %broadcast_in_dim3A_0 {strides = array<i32>} : memref<3x128x128xf32, #tpu.memory_space<vmem>>, vector<16xf32>,
            %swap3A_232 = arith.constant 0 : i32
            %swap3A_233 = arith.index_cast %swap3A_232 : i32 to index
            %swap3A_234 = arith.index_cast %scan3A_226 : i32 to index
            %swap3A_235 = arith.constant 16 : index
            %swap3A_236 = tpu.vector_load %arg6[%swap3A_233, %swap3A_234, %swap3A_235] {strides = array<i32>} : memref<3x128x128xf32, #tpu.memory_space<vmem>>, vector<16xf32>,
            tpu.vector_store %arg6[%swap3A_233, %swap3A_234, %swap3A_235], %broadcast_in_dim3A_0 {strides = array<i32>} : memref<3x128x128xf32, #tpu.memory_space<vmem>>, vector<16xf32>,
            %swap3A_237 = arith.constant 0 : i32
            %swap3A_238 = arith.index_cast %swap3A_237 : i32 to index
            %swap3A_239 = arith.index_cast %scan3A_226 : i32 to index
            %swap3A_240 = arith.constant 32 : index
            %swap3A_241 = tpu.vector_load %arg6[%swap3A_238, %swap3A_239, %swap3A_240] {strides = array<i32>} : memref<3x128x128xf32, #tpu.memory_space<vmem>>, vector<16xf32>,
            tpu.vector_store %arg6[%swap3A_238, %swap3A_239, %swap3A_240], %broadcast_in_dim3A_0 {strides = array<i32>} : memref<3x128x128xf32, #tpu.memory_space<vmem>>, vector<16xf32>,
            %swap3A_242 = arith.constant 0 : i32
            %swap3A_243 = arith.index_cast %swap3A_242 : i32 to index
            %swap3A_244 = arith.index_cast %scan3A_226 : i32 to index
            %swap3A_245 = arith.constant 48 : index
            %swap3A_246 = tpu.vector_load %arg6[%swap3A_243, %swap3A_244, %swap3A_245] {strides = array<i32>} : memref<3x128x128xf32, #tpu.memory_space<vmem>>, vector<16xf32>,
            tpu.vector_store %arg6[%swap3A_243, %swap3A_244, %swap3A_245], %broadcast_in_dim3A_0 {strides = array<i32>} : memref<3x128x128xf32, #tpu.memory_space<vmem>>, vector<16xf32>,
            %swap3A_247 = arith.constant 0 : i32
            %swap3A_248 = arith.index_cast %swap3A_247 : i32 to index
            %swap3A_249 = arith.index_cast %scan3A_226 : i32 to index
            %swap3A_250 = arith.constant 64 : index
            %swap3A_251 = tpu.vector_load %arg6[%swap3A_248, %swap3A_249, %swap3A_250] {strides = array<i32>} : memref<3x128x128xf32, #tpu.memory_space<vmem>>, vector<16xf32>,
            tpu.vector_store %arg6[%swap3A_248, %swap3A_249, %swap3A_250], %broadcast_in_dim3A_0 {strides = array<i32>} : memref<3x128x128xf32, #tpu.memory_space<vmem>>, vector<16xf32>,
            %swap3A_252 = arith.constant 0 : i32
            %swap3A_253 = arith.index_cast %swap3A_252 : i32 to index
            %swap3A_254 = arith.index_cast %scan3A_226 : i32 to index
            %swap3A_255 = arith.constant 80 : index
            %swap3A_256 = tpu.vector_load %arg6[%swap3A_253, %swap3A_254, %swap3A_255] {strides = array<i32>} : memref<3x128x128xf32, #tpu.memory_space<vmem>>, vector<16xf32>,
            tpu.vector_store %arg6[%swap3A_253, %swap3A_254, %swap3A_255], %broadcast_in_dim3A_0 {strides = array<i32>} : memref<3x128x128xf32, #tpu.memory_space<vmem>>, vector<16xf32>,
            %swap3A_257 = arith.constant 0 : i32
            %swap3A_258 = arith.index_cast %swap3A_257 : i32 to index
            %swap3A_259 = arith.index_cast %scan3A_226 : i32 to index
            %swap3A_260 = arith.constant 96 : index
            %swap3A_261 = tpu.vector_load %arg6[%swap3A_258, %swap3A_259, %swap3A_260] {strides = array<i32>} : memref<3x128x128xf32, #tpu.memory_space<vmem>>, vector<16xf32>,
            tpu.vector_store %arg6[%swap3A_258, %swap3A_259, %swap3A_260], %broadcast_in_dim3A_0 {strides = array<i32>} : memref<3x128x128xf32, #tpu.memory_space<vmem>>, vector<16xf32>,
            %swap3A_262 = arith.constant 0 : i32
            %swap3A_263 = arith.index_cast %swap3A_262 : i32 to index
            %swap3A_264 = arith.index_cast %scan3A_226 : i32 to index
            %swap3A_265 = arith.constant 112 : index
            %swap3A_266 = tpu.vector_load %arg6[%swap3A_263, %swap3A_264, %swap3A_265] {strides = array<i32>} : memref<3x128x128xf32, #tpu.memory_space<vmem>>, vector<16xf32>,
            tpu.vector_store %arg6[%swap3A_263, %swap3A_264, %swap3A_265], %broadcast_in_dim3A_0 {strides = array<i32>} : memref<3x128x128xf32, #tpu.memory_space<vmem>>, vector<16xf32>,
            %swap3A_267 = arith.constant 1 : i32
            %swap3A_268 = arith.index_cast %swap3A_267 : i32 to index
            %swap3A_269 = arith.index_cast %scan3A_226 : i32 to index
            %swap3A_270 = arith.constant 0 : index
            %swap3A_271 = tpu.vector_load %arg6[%swap3A_268, %swap3A_269, %swap3A_270] {strides = array<i32>} : memref<3x128x128xf32, #tpu.memory_space<vmem>>, vector<16xf32>,
            tpu.vector_store %arg6[%swap3A_268, %swap3A_269, %swap3A_270], %broadcast_in_dim3A_0 {strides = array<i32>} : memref<3x128x128xf32, #tpu.memory_space<vmem>>, vector<16xf32>,
            %swap3A_272 = arith.constant 1 : i32
            %swap3A_273 = arith.index_cast %swap3A_272 : i32 to index
            %swap3A_274 = arith.index_cast %scan3A_226 : i32 to index
            %swap3A_275 = arith.constant 16 : index
            %swap3A_276 = tpu.vector_load %arg6[%swap3A_273, %swap3A_274, %swap3A_275] {strides = array<i32>} : memref<3x128x128xf32, #tpu.memory_space<vmem>>, vector<16xf32>,
            tpu.vector_store %arg6[%swap3A_273, %swap3A_274, %swap3A_275], %broadcast_in_dim3A_0 {strides = array<i32>} : memref<3x128x128xf32, #tpu.memory_space<vmem>>, vector<16xf32>,
            %swap3A_277 = arith.constant 1 : i32
            %swap3A_278 = arith.index_cast %swap3A_277 : i32 to index
            %swap3A_279 = arith.index_cast %scan3A_226 : i32 to index
            %swap3A_280 = arith.constant 32 : index
            %swap3A_281 = tpu.vector_load %arg6[%swap3A_278, %swap3A_279, %swap3A_280] {strides = array<i32>} : memref<3x128x128xf32, #tpu.memory_space<vmem>>, vector<16xf32>,
            tpu.vector_store %arg6[%swap3A_278, %swap3A_279, %swap3A_280], %broadcast_in_dim3A_0 {strides = array<i32>} : memref<3x128x128xf32, #tpu.memory_space<vmem>>, vector<16xf32>,
            %swap3A_282 = arith.constant 1 : i32
            %swap3A_283 = arith.index_cast %swap3A_282 : i32 to index
            %swap3A_284 = arith.index_cast %scan3A_226 : i32 to index
            %swap3A_285 = arith.constant 48 : index
            %swap3A_286 = tpu.vector_load %arg6[%swap3A_283, %swap3A_284, %swap3A_285] {strides = array<i32>} : memref<3x128x128xf32, #tpu.memory_space<vmem>>, vector<16xf32>,
            tpu.vector_store %arg6[%swap3A_283, %swap3A_284, %swap3A_285], %broadcast_in_dim3A_0 {strides = array<i32>} : memref<3x128x128xf32, #tpu.memory_space<vmem>>, vector<16xf32>,
            %swap3A_287 = arith.constant 1 : i32
            %swap3A_288 = arith.index_cast %swap3A_287 : i32 to index
            %swap3A_289 = arith.index_cast %scan3A_226 : i32 to index
            %swap3A_290 = arith.constant 64 : index
            %swap3A_291 = tpu.vector_load %arg6[%swap3A_288, %swap3A_289, %swap3A_290] {strides = array<i32>} : memref<3x128x128xf32, #tpu.memory_space<vmem>>, vector<16xf32>,
            tpu.vector_store %arg6[%swap3A_288, %swap3A_289, %swap3A_290], %broadcast_in_dim3A_0 {strides = array<i32>} : memref<3x128x128xf32, #tpu.memory_space<vmem>>, vector<16xf32>,
            %swap3A_292 = arith.constant 1 : i32
            %swap3A_293 = arith.index_cast %swap3A_292 : i32 to index
            %swap3A_294 = arith.index_cast %scan3A_226 : i32 to index
            %swap3A_295 = arith.constant 80 : index
            %swap3A_296 = tpu.vector_load %arg6[%swap3A_293, %swap3A_294, %swap3A_295] {strides = array<i32>} : memref<3x128x128xf32, #tpu.memory_space<vmem>>, vector<16xf32>,
            tpu.vector_store %arg6[%swap3A_293, %swap3A_294, %swap3A_295], %broadcast_in_dim3A_0 {strides = array<i32>} : memref<3x128x128xf32, #tpu.memory_space<vmem>>, vector<16xf32>,
            %swap3A_297 = arith.constant 1 : i32
            %swap3A_298 = arith.index_cast %swap3A_297 : i32 to index
            %swap3A_299 = arith.index_cast %scan3A_226 : i32 to index
            %swap3A_300 = arith.constant 96 : index
            %swap3A_301 = tpu.vector_load %arg6[%swap3A_298, %swap3A_299, %swap3A_300] {strides = array<i32>} : memref<3x128x128xf32, #tpu.memory_space<vmem>>, vector<16xf32>,
            tpu.vector_store %arg6[%swap3A_298, %swap3A_299, %swap3A_300], %broadcast_in_dim3A_0 {strides = array<i32>} : memref<3x128x128xf32, #tpu.memory_space<vmem>>, vector<16xf32>,
            %swap3A_302 = arith.constant 1 : i32
            %swap3A_303 = arith.index_cast %swap3A_302 : i32 to index
            %swap3A_304 = arith.index_cast %scan3A_226 : i32 to index
            %swap3A_305 = arith.constant 112 : index
            %swap3A_306 = tpu.vector_load %arg6[%swap3A_303, %swap3A_304, %swap3A_305] {strides = array<i32>} : memref<3x128x128xf32, #tpu.memory_space<vmem>>, vector<16xf32>,
            tpu.vector_store %arg6[%swap3A_303, %swap3A_304, %swap3A_305], %broadcast_in_dim3A_0 {strides = array<i32>} : memref<3x128x128xf32, #tpu.memory_space<vmem>>, vector<16xf32>,
            %swap3A_307 = arith.constant 2 : i32
            %swap3A_308 = arith.index_cast %swap3A_307 : i32 to index
            %swap3A_309 = arith.index_cast %scan3A_226 : i32 to index
            %swap3A_310 = arith.constant 0 : index
            %swap3A_311 = tpu.vector_load %arg6[%swap3A_308, %swap3A_309, %swap3A_310] {strides = array<i32>} : memref<3x128x128xf32, #tpu.memory_space<vmem>>, vector<16xf32>,
            tpu.vector_store %arg6[%swap3A_308, %swap3A_309, %swap3A_310], %broadcast_in_dim3A_0 {strides = array<i32>} : memref<3x128x128xf32, #tpu.memory_space<vmem>>, vector<16xf32>,
            %swap3A_312 = arith.constant 2 : i32
            %swap3A_313 = arith.index_cast %swap3A_312 : i32 to index
            %swap3A_314 = arith.index_cast %scan3A_226 : i32 to index
            %swap3A_315 = arith.constant 16 : index
            %swap3A_316 = tpu.vector_load %arg6[%swap3A_313, %swap3A_314, %swap3A_315] {strides = array<i32>} : memref<3x128x128xf32, #tpu.memory_space<vmem>>, vector<16xf32>,
            tpu.vector_store %arg6[%swap3A_313, %swap3A_314, %swap3A_315], %broadcast_in_dim3A_0 {strides = array<i32>} : memref<3x128x128xf32, #tpu.memory_space<vmem>>, vector<16xf32>,
            %swap3A_317 = arith.constant 2 : i32
            %swap3A_318 = arith.index_cast %swap3A_317 : i32 to index
            %swap3A_319 = arith.index_cast %scan3A_226 : i32 to index
            %swap3A_320 = arith.constant 32 : index
            %swap3A_321 = tpu.vector_load %arg6[%swap3A_318, %swap3A_319, %swap3A_320] {strides = array<i32>} : memref<3x128x128xf32, #tpu.memory_space<vmem>>, vector<16xf32>,
            tpu.vector_store %arg6[%swap3A_318, %swap3A_319, %swap3A_320], %broadcast_in_dim3A_0 {strides = array<i32>} : memref<3x128x128xf32, #tpu.memory_space<vmem>>, vector<16xf32>,
            %swap3A_322 = arith.constant 2 : i32
            %swap3A_323 = arith.index_cast %swap3A_322 : i32 to index
            %swap3A_324 = arith.index_cast %scan3A_226 : i32 to index
            %swap3A_325 = arith.constant 48 : index
            %swap3A_326 = tpu.vector_load %arg6[%swap3A_323, %swap3A_324, %swap3A_325] {strides = array<i32>} : memref<3x128x128xf32, #tpu.memory_space<vmem>>, vector<16xf32>,
            tpu.vector_store %arg6[%swap3A_323, %swap3A_324, %swap3A_325], %broadcast_in_dim3A_0 {strides = array<i32>} : memref<3x128x128xf32, #tpu.memory_space<vmem>>, vector<16xf32>,
            %swap3A_327 = arith.constant 2 : i32
            %swap3A_328 = arith.index_cast %swap3A_327 : i32 to index
            %swap3A_329 = arith.index_cast %scan3A_226 : i32 to index
            %swap3A_330 = arith.constant 64 : index
            %swap3A_331 = tpu.vector_load %arg6[%swap3A_328, %swap3A_329, %swap3A_330] {strides = array<i32>} : memref<3x128x128xf32, #tpu.memory_space<vmem>>, vector<16xf32>,
            tpu.vector_store %arg6[%swap3A_328, %swap3A_329, %swap3A_330], %broadcast_in_dim3A_0 {strides = array<i32>} : memref<3x128x128xf32, #tpu.memory_space<vmem>>, vector<16xf32>,
            %swap3A_332 = arith.constant 2 : i32
            %swap3A_333 = arith.index_cast %swap3A_332 : i32 to index
            %swap3A_334 = arith.index_cast %scan3A_226 : i32 to index
            %swap3A_335 = arith.constant 80 : index
            %swap3A_336 = tpu.vector_load %arg6[%swap3A_333, %swap3A_334, %swap3A_335] {strides = array<i32>} : memref<3x128x128xf32, #tpu.memory_space<vmem>>, vector<16xf32>,
            tpu.vector_store %arg6[%swap3A_333, %swap3A_334, %swap3A_335], %broadcast_in_dim3A_0 {strides = array<i32>} : memref<3x128x128xf32, #tpu.memory_space<vmem>>, vector<16xf32>,
            %swap3A_337 = arith.constant 2 : i32
            %swap3A_338 = arith.index_cast %swap3A_337 : i32 to index
            %swap3A_339 = arith.index_cast %scan3A_226 : i32 to index
            %swap3A_340 = arith.constant 96 : index
            %swap3A_341 = tpu.vector_load %arg6[%swap3A_338, %swap3A_339, %swap3A_340] {strides = array<i32>} : memref<3x128x128xf32, #tpu.memory_space<vmem>>, vector<16xf32>,
            tpu.vector_store %arg6[%swap3A_338, %swap3A_339, %swap3A_340], %broadcast_in_dim3A_0 {strides = array<i32>} : memref<3x128x128xf32, #tpu.memory_space<vmem>>, vector<16xf32>,
            %swap3A_342 = arith.constant 2 : i32
            %swap3A_343 = arith.index_cast %swap3A_342 : i32 to index
            %swap3A_344 = arith.index_cast %scan3A_226 : i32 to index
            %swap3A_345 = arith.constant 112 : index
            %swap3A_346 = tpu.vector_load %arg6[%swap3A_343, %swap3A_344, %swap3A_345] {strides = array<i32>} : memref<3x128x128xf32, #tpu.memory_space<vmem>>, vector<16xf32>,
            tpu.vector_store %arg6[%swap3A_343, %swap3A_344, %swap3A_345], %broadcast_in_dim3A_0 {strides = array<i32>} : memref<3x128x128xf32, #tpu.memory_space<vmem>>, vector<16xf32>,
            %scan3A_347 = arith.constant 0 : i32
            scf.yield %scan3A_347 : i32
          }
          %scan3A_225 = arith.constant 128 : i32
        } else {
        }
        %ge3A = arith.constant 2 : i32
        %ge3A_157 = arith.cmpi sge, %scan3A_134, %ge3A : i32
        %convert_element_type3A_158 = arith.extui %ge3A_157 : i1 to i32
        %cond3A_159 = arith.constant 0 : i32
        %cond3A_160 = arith.cmpi ne, %convert_element_type3A_158, %cond3A_159 : i32
        scf.if %cond3A_160 {
          %sub3A = arith.constant 256 : i32
          %sub3A_219 = arith.subi %mul3A_140, %sub3A : i32
          %add3A_220 = arith.constant 0 : i32
          %add3A_221 = arith.addi %add3A_220, %sub3A_219 : i32
          %dma_wait3A_222 = arith.constant 0 : i32
          %dma_wait3A_223 = arith.constant 0 : i32
          %dma_wait3A_224 = arith.constant 0 : i32
          %dma_wait3A_225 = tpu.memref_slice %arg6[%dma_wait3A_222, %dma_wait3A_223, %dma_wait3A_224] : memref<3x128x128xf32, #tpu.memory_space<vmem>> -> memref<1x128x128xf32, #tpu.memory_space<vmem>>
          %dma_wait3A_226 = tpu.memref_squeeze %dma_wait3A_225 : memref<1x128x128xf32, #tpu.memory_space<vmem>> -> memref<128x128xf32, #tpu.memory_space<vmem>>
          %dma_wait3A_227 = arith.constant 0 : i32
          %dma_wait3A_228 = tpu.memref_slice %arg3[%arg1, %add3A_221, %dma_wait3A_227] : memref<16x6144x128xf32, #tpu.memory_space<hbm>> -> memref<1x128x128xf32, #tpu.memory_space<hbm>>
          %dma_wait3A_229 = tpu.memref_squeeze %dma_wait3A_228 : memref<1x128x128xf32, #tpu.memory_space<hbm>> -> memref<128x128xf32, #tpu.memory_space<hbm>>
          %dma_wait3A_230 = arith.constant 0 : i32
          %dma_wait3A_231 = tpu.memref_slice %arg3[%arg1, %add3A_221, %dma_wait3A_230] : memref<16x6144x128xf32, #tpu.memory_space<hbm>> -> memref<1x128x128xf32, #tpu.memory_space<hbm>>
          %dma_wait3A_232 = tpu.memref_squeeze %dma_wait3A_231 : memref<1x128x128xf32, #tpu.memory_space<hbm>> -> memref<128x128xf32, #tpu.memory_space<hbm>>
          %dma_wait3A_233 = arith.constant 0 : i32
          %dma_wait3A_234 = arith.constant 0 : i32
          %dma_wait3A_235 = tpu.memref_slice %arg6[%dma_wait3A_222, %dma_wait3A_233, %dma_wait3A_234] : memref<3x128x128xf32, #tpu.memory_space<vmem>> -> memref<1x128x128xf32, #tpu.memory_space<vmem>>
          %dma_wait3A_236 = tpu.memref_squeeze %dma_wait3A_235 : memref<1x128x128xf32, #tpu.memory_space<vmem>> -> memref<128x128xf32, #tpu.memory_space<vmem>>
          tpu.wait_dma2 semaphore(%arg8 : memref<!tpu.dma_semaphore, #tpu.memory_space<semaphore_mem>>) src(%dma_wait3A_236 : memref<128x128xf32, #tpu.memory_space<vmem>>) dst(%dma_wait3A_232 : memref<128x128xf32, #tpu.memory_space<hbm>>)
          %add3A_237 = arith.constant 2048 : i32
          %add3A_238 = arith.addi %add3A_237, %sub3A_219 : i32
          %dma_wait3A_239 = arith.constant 1 : i32
          %dma_wait3A_240 = arith.constant 0 : i32
          %dma_wait3A_241 = arith.constant 0 : i32
          %dma_wait3A_242 = tpu.memref_slice %arg6[%dma_wait3A_239, %dma_wait3A_240, %dma_wait3A_241] : memref<3x128x128xf32, #tpu.memory_space<vmem>> -> memref<1x128x128xf32, #tpu.memory_space<vmem>>
          %dma_wait3A_243 = tpu.memref_squeeze %dma_wait3A_242 : memref<1x128x128xf32, #tpu.memory_space<vmem>> -> memref<128x128xf32, #tpu.memory_space<vmem>>
          %dma_wait3A_244 = arith.constant 0 : i32
          %dma_wait3A_245 = tpu.memref_slice %arg3[%arg1, %add3A_238, %dma_wait3A_244] : memref<16x6144x128xf32, #tpu.memory_space<hbm>> -> memref<1x128x128xf32, #tpu.memory_space<hbm>>
          %dma_wait3A_246 = tpu.memref_squeeze %dma_wait3A_245 : memref<1x128x128xf32, #tpu.memory_space<hbm>> -> memref<128x128xf32, #tpu.memory_space<hbm>>
          %dma_wait3A_247 = arith.constant 0 : i32
          %dma_wait3A_248 = tpu.memref_slice %arg3[%arg1, %add3A_238, %dma_wait3A_247] : memref<16x6144x128xf32, #tpu.memory_space<hbm>> -> memref<1x128x128xf32, #tpu.memory_space<hbm>>
          %dma_wait3A_249 = tpu.memref_squeeze %dma_wait3A_248 : memref<1x128x128xf32, #tpu.memory_space<hbm>> -> memref<128x128xf32, #tpu.memory_space<hbm>>
          %dma_wait3A_250 = arith.constant 0 : i32
          %dma_wait3A_251 = arith.constant 0 : i32
          %dma_wait3A_252 = tpu.memref_slice %arg6[%dma_wait3A_239, %dma_wait3A_250, %dma_wait3A_251] : memref<3x128x128xf32, #tpu.memory_space<vmem>> -> memref<1x128x128xf32, #tpu.memory_space<vmem>>
          %dma_wait3A_253 = tpu.memref_squeeze %dma_wait3A_252 : memref<1x128x128xf32, #tpu.memory_space<vmem>> -> memref<128x128xf32, #tpu.memory_space<vmem>>
          tpu.wait_dma2 semaphore(%arg8 : memref<!tpu.dma_semaphore, #tpu.memory_space<semaphore_mem>>) src(%dma_wait3A_253 : memref<128x128xf32, #tpu.memory_space<vmem>>) dst(%dma_wait3A_249 : memref<128x128xf32, #tpu.memory_space<hbm>>)
          %add3A_254 = arith.constant 4096 : i32
          %add3A_255 = arith.addi %add3A_254, %sub3A_219 : i32
          %dma_wait3A_256 = arith.constant 2 : i32
          %dma_wait3A_257 = arith.constant 0 : i32
          %dma_wait3A_258 = arith.constant 0 : i32
          %dma_wait3A_259 = tpu.memref_slice %arg6[%dma_wait3A_256, %dma_wait3A_257, %dma_wait3A_258] : memref<3x128x128xf32, #tpu.memory_space<vmem>> -> memref<1x128x128xf32, #tpu.memory_space<vmem>>
          %dma_wait3A_260 = tpu.memref_squeeze %dma_wait3A_259 : memref<1x128x128xf32, #tpu.memory_space<vmem>> -> memref<128x128xf32, #tpu.memory_space<vmem>>
          %dma_wait3A_261 = arith.constant 0 : i32
          %dma_wait3A_262 = tpu.memref_slice %arg3[%arg1, %add3A_255, %dma_wait3A_261] : memref<16x6144x128xf32, #tpu.memory_space<hbm>> -> memref<1x128x128xf32, #tpu.memory_space<hbm>>
          %dma_wait3A_263 = tpu.memref_squeeze %dma_wait3A_262 : memref<1x128x128xf32, #tpu.memory_space<hbm>> -> memref<128x128xf32, #tpu.memory_space<hbm>>
          %dma_wait3A_264 = arith.constant 0 : i32
          %dma_wait3A_265 = tpu.memref_slice %arg3[%arg1, %add3A_255, %dma_wait3A_264] : memref<16x6144x128xf32, #tpu.memory_space<hbm>> -> memref<1x128x128xf32, #tpu.memory_space<hbm>>
          %dma_wait3A_266 = tpu.memref_squeeze %dma_wait3A_265 : memref<1x128x128xf32, #tpu.memory_space<hbm>> -> memref<128x128xf32, #tpu.memory_space<hbm>>
          %dma_wait3A_267 = arith.constant 0 : i32
          %dma_wait3A_268 = arith.constant 0 : i32
          %dma_wait3A_269 = tpu.memref_slice %arg6[%dma_wait3A_256, %dma_wait3A_267, %dma_wait3A_268] : memref<3x128x128xf32, #tpu.memory_space<vmem>> -> memref<1x128x128xf32, #tpu.memory_space<vmem>>
          %dma_wait3A_270 = tpu.memref_squeeze %dma_wait3A_269 : memref<1x128x128xf32, #tpu.memory_space<vmem>> -> memref<128x128xf32, #tpu.memory_space<vmem>>
          tpu.wait_dma2 semaphore(%arg8 : memref<!tpu.dma_semaphore, #tpu.memory_space<semaphore_mem>>) src(%dma_wait3A_270 : memref<128x128xf32, #tpu.memory_space<vmem>>) dst(%dma_wait3A_266 : memref<128x128xf32, #tpu.memory_space<hbm>>)
        } else {
        }
        %scan3A_161 = arith.constant 0 : i32
        %scan3A_162 = arith.constant 0 : i32
        %scan3A_163 = arith.constant 2 : i32
        %scan3A_164 = arith.addi %scan3A_162, %scan3A_163 : i32
        %scan3A_165 = arith.constant 1 : i32
        %scan3A_166 = scf.for %scan3A_219 = %scan3A_162 to %scan3A_164 step %scan3A_165 iter_args(%scan3A_220 = %scan3A_161) -> (i32)  : i32 {
          %eq3A_221 = arith.constant 0 : i32
          %eq3A_222 = arith.cmpi eq, %scan3A_219, %eq3A_221 : i32
          %sub3A = arith.constant 256 : i32
          %sub3A_223 = arith.subi %mul3A_140, %sub3A : i32
          %select_n3A = arith.select %eq3A_222, %sub3A_223, %mul3A_140 : i32
          %jit3A = arith.constant -1.000000e+00 : f32
          %jit3A_224 = arith.constant 1.000000e+00 : f32
          %select_n3A_225 = arith.select %eq3A_222, %jit3A, %jit3A_224 : f32
          %eq3A_226 = arith.constant 1 : i32
          %eq3A_227 = arith.cmpi eq, %scan3A_219, %eq3A_226 : i32
          %ge3A_228 = arith.constant 2 : i32
          %ge3A_229 = arith.cmpi sge, %scan3A_134, %ge3A_228 : i32
          %or3A = arith.ori %eq3A_227, %ge3A_229 : i1
          %broadcast_in_dim3A_230 = arith.constant 1.000000e+00 : f32
          %broadcast_in_dim3A_231 = vector.broadcast %broadcast_in_dim3A_230 : f32 to vector<16xf32>
          %mul3A_232 = vector.broadcast %select_n3A_225 : f32 to vector<16xf32>
          %mul3A_233 = arith.mulf %broadcast_in_dim3A_231, %mul3A_232 : vector<16xf32>
          %scan3A_234 = arith.constant 0 : i32
          %scan3A_235 = arith.constant 0 : i32
          %scan3A_236 = arith.constant 4 : i32
          %scan3A_237 = arith.addi %scan3A_235, %scan3A_236 : i32
          %scan3A_238 = arith.constant 1 : i32
          %scan3A_239 = scf.for %scan3A_242 = %scan3A_235 to %scan3A_237 step %scan3A_238 iter_args(%scan3A_243 = %scan3A_234) -> (i32)  : i32 {
            %add3A_244 = vector.broadcast %scan3A_242 : i32 to vector<16xi32>
            %add3A_245 = arith.addi %broadcast_in_dim3A_2, %add3A_244 : vector<16xi32>
            %scan3A_246 = arith.constant 0 : i32
            %scan3A_247 = arith.constant 0 : i32
            %scan3A_248 = arith.constant 8 : i32
            %scan3A_249 = arith.addi %scan3A_247, %scan3A_248 : i32
            %scan3A_250 = arith.constant 1 : i32
            %scan3A_251 = scf.for %scan3A_254 = %scan3A_247 to %scan3A_249 step %scan3A_250 iter_args(%scan3A_255 = %scan3A_246) -> (i32)  : i32 {
              %mul3A_256 = arith.constant 16 : i32
              %mul3A_257 = arith.muli %scan3A_254, %mul3A_256 : i32
              %add3A_258 = vector.broadcast %mul3A_257 : i32 to vector<16xi32>
              %add3A_259 = arith.addi %iota3A, %add3A_258 : vector<16xi32>
              %mul3A_260 = arith.constant 4 : i32
              %mul3A_261 = vector.broadcast %mul3A_260 : i32 to vector<16xi32>
              %mul3A_262 = arith.muli %add3A_259, %mul3A_261 : vector<16xi32>
              %add3A_263 = arith.addi %mul3A_262, %add3A_245 : vector<16xi32>
              %gather3A = tpu.vector_load_idx %arg4[%add3A_263] : memref<512xi32, #tpu.memory_space<vmem>>[vector<16xi32>], vector<16xi32>,
              %and3A = arith.constant 2047 : i32
              %and3A_264 = vector.broadcast %and3A : i32 to vector<16xi32>
              %and3A_265 = arith.andi %gather3A, %and3A_264 : vector<16xi32>
              %sub3A_266 = vector.broadcast %select_n3A : i32 to vector<16xi32>
              %sub3A_267 = arith.subi %and3A_265, %sub3A_266 : vector<16xi32>
              %ge3A_268 = arith.constant 0 : i32
              %ge3A_269 = vector.broadcast %ge3A_268 : i32 to vector<16xi32>
              %ge3A_270 = arith.cmpi sge, %sub3A_267, %ge3A_269 : vector<16xi32>
              %lt3A = arith.constant 128 : i32
              %lt3A_271 = vector.broadcast %lt3A : i32 to vector<16xi32>
              %lt3A_272 = arith.cmpi slt, %sub3A_267, %lt3A_271 : vector<16xi32>
              %and3A_273 = arith.andi %ge3A_270, %lt3A_272 : vector<16xi1>
              %and3A_274 = vector.broadcast %or3A : i1 to vector<16xi1>
              %and3A_275 = arith.andi %and3A_273, %and3A_274 : vector<16xi1>
              %add3A_276 = arith.constant 1 : i32
              %add3A_277 = vector.broadcast %add3A_276 : i32 to vector<16xi32>
              %add3A_278 = arith.addi %add3A_259, %add3A_277 : vector<16xi32>
              %lt3A_279 = arith.constant 127 : i32
              %lt3A_280 = vector.broadcast %lt3A_279 : i32 to vector<16xi32>
              %lt3A_281 = arith.cmpi slt, %add3A_259, %lt3A_280 : vector<16xi32>
              %and3A_282 = arith.andi %and3A_275, %lt3A_281 : vector<16xi1>
              tpu.vector_store_idx %arg6[%broadcast_in_dim3A_2, %sub3A_267, %add3A_278], %mul3A_233 masked %and3A_282 {add = true} : memref<3x128x128xf32, #tpu.memory_space<vmem>>[vector<16xi32>, vector<16xi32>, vector<16xi32>], vector<16xf32>, vector<16xi1>
              %add3A_283 = arith.constant 1 : i32
              %add3A_284 = vector.broadcast %add3A_283 : i32 to vector<16xi32>
              %add3A_285 = arith.addi %broadcast_in_dim3A_2, %add3A_284 : vector<16xi32>
              tpu.vector_store_idx %arg6[%add3A_285, %sub3A_267, %add3A_259], %mul3A_233 masked %and3A_275 {add = true} : memref<3x128x128xf32, #tpu.memory_space<vmem>>[vector<16xi32>, vector<16xi32>, vector<16xi32>], vector<16xf32>, vector<16xi1>
              %add3A_286 = arith.constant 2 : i32
              %add3A_287 = vector.broadcast %add3A_286 : i32 to vector<16xi32>
              %add3A_288 = arith.addi %broadcast_in_dim3A_2, %add3A_287 : vector<16xi32>
              %sub3A_289 = arith.constant 1 : i32
              %sub3A_290 = vector.broadcast %sub3A_289 : i32 to vector<16xi32>
              %sub3A_291 = arith.subi %add3A_259, %sub3A_290 : vector<16xi32>
              %gt3A = arith.constant 0 : i32
              %gt3A_292 = vector.broadcast %gt3A : i32 to vector<16xi32>
              %gt3A_293 = arith.cmpi sgt, %add3A_259, %gt3A_292 : vector<16xi32>
              %and3A_294 = arith.andi %and3A_275, %gt3A_293 : vector<16xi1>
              tpu.vector_store_idx %arg6[%add3A_288, %sub3A_267, %sub3A_291], %mul3A_233 masked %and3A_294 {add = true} : memref<3x128x128xf32, #tpu.memory_space<vmem>>[vector<16xi32>, vector<16xi32>, vector<16xi32>], vector<16xf32>, vector<16xi1>
              %scan3A_295 = arith.constant 0 : i32
              scf.yield %scan3A_295 : i32
            }
            %scan3A_252 = arith.constant 8 : i32
            %scan3A_253 = arith.constant 0 : i32
            scf.yield %scan3A_253 : i32
          }
          %scan3A_240 = arith.constant 4 : i32
          %scan3A_241 = arith.constant 0 : i32
          scf.yield %scan3A_241 : i32
        }
        %scan3A_167 = arith.constant 2 : i32
        %add3A_168 = arith.constant 0 : i32
        %add3A_169 = arith.addi %add3A_168, %mul3A_140 : i32
        %dma_start3A_170 = arith.constant 0 : i32
        %dma_start3A_171 = arith.constant 0 : i32
        %dma_start3A_172 = arith.constant 0 : i32
        %dma_start3A_173 = tpu.memref_slice %arg6[%dma_start3A_170, %dma_start3A_171, %dma_start3A_172] : memref<3x128x128xf32, #tpu.memory_space<vmem>> -> memref<1x128x128xf32, #tpu.memory_space<vmem>>
        %dma_start3A_174 = tpu.memref_squeeze %dma_start3A_173 : memref<1x128x128xf32, #tpu.memory_space<vmem>> -> memref<128x128xf32, #tpu.memory_space<vmem>>
        %dma_start3A_175 = arith.constant 0 : i32
        %dma_start3A_176 = tpu.memref_slice %arg3[%arg1, %add3A_169, %dma_start3A_175] : memref<16x6144x128xf32, #tpu.memory_space<hbm>> -> memref<1x128x128xf32, #tpu.memory_space<hbm>>
        %dma_start3A_177 = tpu.memref_squeeze %dma_start3A_176 : memref<1x128x128xf32, #tpu.memory_space<hbm>> -> memref<128x128xf32, #tpu.memory_space<hbm>>
        %dma_start3A_178 = arith.constant 0 : i32
        %dma_start3A_179 = tpu.memref_slice %arg3[%arg1, %add3A_169, %dma_start3A_178] : memref<16x6144x128xf32, #tpu.memory_space<hbm>> -> memref<1x128x128xf32, #tpu.memory_space<hbm>>
        %dma_start3A_180 = tpu.memref_squeeze %dma_start3A_179 : memref<1x128x128xf32, #tpu.memory_space<hbm>> -> memref<128x128xf32, #tpu.memory_space<hbm>>
        %dma_start3A_181 = arith.constant 0 : i32
        %dma_start3A_182 = arith.constant 0 : i32
        %dma_start3A_183 = tpu.memref_slice %arg6[%dma_start3A_170, %dma_start3A_181, %dma_start3A_182] : memref<3x128x128xf32, #tpu.memory_space<vmem>> -> memref<1x128x128xf32, #tpu.memory_space<vmem>>
        %dma_start3A_184 = tpu.memref_squeeze %dma_start3A_183 : memref<1x128x128xf32, #tpu.memory_space<vmem>> -> memref<128x128xf32, #tpu.memory_space<vmem>>
        tpu.enqueue_dma source(%dma_start3A_184 : memref<128x128xf32, #tpu.memory_space<vmem>>) target(%dma_start3A_180 : memref<128x128xf32, #tpu.memory_space<hbm>>) target_semaphore(%arg8 : memref<!tpu.dma_semaphore, #tpu.memory_space<semaphore_mem>>)
        %add3A_185 = arith.constant 2048 : i32
        %add3A_186 = arith.addi %add3A_185, %mul3A_140 : i32
        %dma_start3A_187 = arith.constant 1 : i32
        %dma_start3A_188 = arith.constant 0 : i32
        %dma_start3A_189 = arith.constant 0 : i32
        %dma_start3A_190 = tpu.memref_slice %arg6[%dma_start3A_187, %dma_start3A_188, %dma_start3A_189] : memref<3x128x128xf32, #tpu.memory_space<vmem>> -> memref<1x128x128xf32, #tpu.memory_space<vmem>>
        %dma_start3A_191 = tpu.memref_squeeze %dma_start3A_190 : memref<1x128x128xf32, #tpu.memory_space<vmem>> -> memref<128x128xf32, #tpu.memory_space<vmem>>
        %dma_start3A_192 = arith.constant 0 : i32
        %dma_start3A_193 = tpu.memref_slice %arg3[%arg1, %add3A_186, %dma_start3A_192] : memref<16x6144x128xf32, #tpu.memory_space<hbm>> -> memref<1x128x128xf32, #tpu.memory_space<hbm>>
        %dma_start3A_194 = tpu.memref_squeeze %dma_start3A_193 : memref<1x128x128xf32, #tpu.memory_space<hbm>> -> memref<128x128xf32, #tpu.memory_space<hbm>>
        %dma_start3A_195 = arith.constant 0 : i32
        %dma_start3A_196 = tpu.memref_slice %arg3[%arg1, %add3A_186, %dma_start3A_195] : memref<16x6144x128xf32, #tpu.memory_space<hbm>> -> memref<1x128x128xf32, #tpu.memory_space<hbm>>
        %dma_start3A_197 = tpu.memref_squeeze %dma_start3A_196 : memref<1x128x128xf32, #tpu.memory_space<hbm>> -> memref<128x128xf32, #tpu.memory_space<hbm>>
        %dma_start3A_198 = arith.constant 0 : i32
        %dma_start3A_199 = arith.constant 0 : i32
        %dma_start3A_200 = tpu.memref_slice %arg6[%dma_start3A_187, %dma_start3A_198, %dma_start3A_199] : memref<3x128x128xf32, #tpu.memory_space<vmem>> -> memref<1x128x128xf32, #tpu.memory_space<vmem>>
        %dma_start3A_201 = tpu.memref_squeeze %dma_start3A_200 : memref<1x128x128xf32, #tpu.memory_space<vmem>> -> memref<128x128xf32, #tpu.memory_space<vmem>>
        tpu.enqueue_dma source(%dma_start3A_201 : memref<128x128xf32, #tpu.memory_space<vmem>>) target(%dma_start3A_197 : memref<128x128xf32, #tpu.memory_space<hbm>>) target_semaphore(%arg8 : memref<!tpu.dma_semaphore, #tpu.memory_space<semaphore_mem>>)
        %add3A_202 = arith.constant 4096 : i32
        %add3A_203 = arith.addi %add3A_202, %mul3A_140 : i32
        %dma_start3A_204 = arith.constant 2 : i32
        %dma_start3A_205 = arith.constant 0 : i32
        %dma_start3A_206 = arith.constant 0 : i32
        %dma_start3A_207 = tpu.memref_slice %arg6[%dma_start3A_204, %dma_start3A_205, %dma_start3A_206] : memref<3x128x128xf32, #tpu.memory_space<vmem>> -> memref<1x128x128xf32, #tpu.memory_space<vmem>>
        %dma_start3A_208 = tpu.memref_squeeze %dma_start3A_207 : memref<1x128x128xf32, #tpu.memory_space<vmem>> -> memref<128x128xf32, #tpu.memory_space<vmem>>
        %dma_start3A_209 = arith.constant 0 : i32
        %dma_start3A_210 = tpu.memref_slice %arg3[%arg1, %add3A_203, %dma_start3A_209] : memref<16x6144x128xf32, #tpu.memory_space<hbm>> -> memref<1x128x128xf32, #tpu.memory_space<hbm>>
        %dma_start3A_211 = tpu.memref_squeeze %dma_start3A_210 : memref<1x128x128xf32, #tpu.memory_space<hbm>> -> memref<128x128xf32, #tpu.memory_space<hbm>>
        %dma_start3A_212 = arith.constant 0 : i32
        %dma_start3A_213 = tpu.memref_slice %arg3[%arg1, %add3A_203, %dma_start3A_212] : memref<16x6144x128xf32, #tpu.memory_space<hbm>> -> memref<1x128x128xf32, #tpu.memory_space<hbm>>
        %dma_start3A_214 = tpu.memref_squeeze %dma_start3A_213 : memref<1x128x128xf32, #tpu.memory_space<hbm>> -> memref<128x128xf32, #tpu.memory_space<hbm>>
        %dma_start3A_215 = arith.constant 0 : i32
        %dma_start3A_216 = arith.constant 0 : i32
        %dma_start3A_217 = tpu.memref_slice %arg6[%dma_start3A_204, %dma_start3A_215, %dma_start3A_216] : memref<3x128x128xf32, #tpu.memory_space<vmem>> -> memref<1x128x128xf32, #tpu.memory_space<vmem>>
        %dma_start3A_218 = tpu.memref_squeeze %dma_start3A_217 : memref<1x128x128xf32, #tpu.memory_space<vmem>> -> memref<128x128xf32, #tpu.memory_space<vmem>>
        tpu.enqueue_dma source(%dma_start3A_218 : memref<128x128xf32, #tpu.memory_space<vmem>>) target(%dma_start3A_214 : memref<128x128xf32, #tpu.memory_space<hbm>>) target_semaphore(%arg8 : memref<!tpu.dma_semaphore, #tpu.memory_space<semaphore_mem>>)
      } else {
      }
      %scan3A_151 = arith.constant 0 : i32
      scf.yield %scan3A_151 : i32
    }
    %scan3A_20 = arith.constant 8 : i32
    %mul3A_21 = arith.constant 8 : i32
    %mul3A_22 = arith.muli %arg0, %mul3A_21 : i32
    %add3A = arith.constant 6 : i32
    %add3A_23 = arith.addi %mul3A_22, %add3A : i32
    %mul3A_24 = arith.constant 128 : i32
    %mul3A_25 = arith.muli %add3A_23, %mul3A_24 : i32
    %add3A_26 = arith.constant 0 : i32
    %add3A_27 = arith.addi %add3A_26, %mul3A_25 : i32
    %dma_wait3A_28 = arith.constant 0 : i32
    %dma_wait3A_29 = arith.constant 0 : i32
    %dma_wait3A_30 = arith.constant 0 : i32
    %dma_wait3A_31 = tpu.memref_slice %arg5[%dma_wait3A_28, %dma_wait3A_29, %dma_wait3A_30] : memref<3x128x128xf32, #tpu.memory_space<vmem>> -> memref<1x128x128xf32, #tpu.memory_space<vmem>>
    %dma_wait3A_32 = tpu.memref_squeeze %dma_wait3A_31 : memref<1x128x128xf32, #tpu.memory_space<vmem>> -> memref<128x128xf32, #tpu.memory_space<vmem>>
    %dma_wait3A_33 = arith.constant 0 : i32
    %dma_wait3A_34 = tpu.memref_slice %arg3[%arg1, %add3A_27, %dma_wait3A_33] : memref<16x6144x128xf32, #tpu.memory_space<hbm>> -> memref<1x128x128xf32, #tpu.memory_space<hbm>>
    %dma_wait3A_35 = tpu.memref_squeeze %dma_wait3A_34 : memref<1x128x128xf32, #tpu.memory_space<hbm>> -> memref<128x128xf32, #tpu.memory_space<hbm>>
    %dma_wait3A_36 = arith.constant 0 : i32
    %dma_wait3A_37 = tpu.memref_slice %arg3[%arg1, %add3A_27, %dma_wait3A_36] : memref<16x6144x128xf32, #tpu.memory_space<hbm>> -> memref<1x128x128xf32, #tpu.memory_space<hbm>>
    %dma_wait3A_38 = tpu.memref_squeeze %dma_wait3A_37 : memref<1x128x128xf32, #tpu.memory_space<hbm>> -> memref<128x128xf32, #tpu.memory_space<hbm>>
    %dma_wait3A_39 = arith.constant 0 : i32
    %dma_wait3A_40 = arith.constant 0 : i32
    %dma_wait3A_41 = tpu.memref_slice %arg5[%dma_wait3A_28, %dma_wait3A_39, %dma_wait3A_40] : memref<3x128x128xf32, #tpu.memory_space<vmem>> -> memref<1x128x128xf32, #tpu.memory_space<vmem>>
    %dma_wait3A_42 = tpu.memref_squeeze %dma_wait3A_41 : memref<1x128x128xf32, #tpu.memory_space<vmem>> -> memref<128x128xf32, #tpu.memory_space<vmem>>
    tpu.wait_dma2 semaphore(%arg7 : memref<!tpu.dma_semaphore, #tpu.memory_space<semaphore_mem>>) src(%dma_wait3A_42 : memref<128x128xf32, #tpu.memory_space<vmem>>) dst(%dma_wait3A_38 : memref<128x128xf32, #tpu.memory_space<hbm>>)
    %add3A_43 = arith.constant 2048 : i32
    %add3A_44 = arith.addi %add3A_43, %mul3A_25 : i32
    %dma_wait3A_45 = arith.constant 1 : i32
    %dma_wait3A_46 = arith.constant 0 : i32
    %dma_wait3A_47 = arith.constant 0 : i32
    %dma_wait3A_48 = tpu.memref_slice %arg5[%dma_wait3A_45, %dma_wait3A_46, %dma_wait3A_47] : memref<3x128x128xf32, #tpu.memory_space<vmem>> -> memref<1x128x128xf32, #tpu.memory_space<vmem>>
    %dma_wait3A_49 = tpu.memref_squeeze %dma_wait3A_48 : memref<1x128x128xf32, #tpu.memory_space<vmem>> -> memref<128x128xf32, #tpu.memory_space<vmem>>
    %dma_wait3A_50 = arith.constant 0 : i32
    %dma_wait3A_51 = tpu.memref_slice %arg3[%arg1, %add3A_44, %dma_wait3A_50] : memref<16x6144x128xf32, #tpu.memory_space<hbm>> -> memref<1x128x128xf32, #tpu.memory_space<hbm>>
    %dma_wait3A_52 = tpu.memref_squeeze %dma_wait3A_51 : memref<1x128x128xf32, #tpu.memory_space<hbm>> -> memref<128x128xf32, #tpu.memory_space<hbm>>
    %dma_wait3A_53 = arith.constant 0 : i32
    %dma_wait3A_54 = tpu.memref_slice %arg3[%arg1, %add3A_44, %dma_wait3A_53] : memref<16x6144x128xf32, #tpu.memory_space<hbm>> -> memref<1x128x128xf32, #tpu.memory_space<hbm>>
    %dma_wait3A_55 = tpu.memref_squeeze %dma_wait3A_54 : memref<1x128x128xf32, #tpu.memory_space<hbm>> -> memref<128x128xf32, #tpu.memory_space<hbm>>
    %dma_wait3A_56 = arith.constant 0 : i32
    %dma_wait3A_57 = arith.constant 0 : i32
    %dma_wait3A_58 = tpu.memref_slice %arg5[%dma_wait3A_45, %dma_wait3A_56, %dma_wait3A_57] : memref<3x128x128xf32, #tpu.memory_space<vmem>> -> memref<1x128x128xf32, #tpu.memory_space<vmem>>
    %dma_wait3A_59 = tpu.memref_squeeze %dma_wait3A_58 : memref<1x128x128xf32, #tpu.memory_space<vmem>> -> memref<128x128xf32, #tpu.memory_space<vmem>>
    tpu.wait_dma2 semaphore(%arg7 : memref<!tpu.dma_semaphore, #tpu.memory_space<semaphore_mem>>) src(%dma_wait3A_59 : memref<128x128xf32, #tpu.memory_space<vmem>>) dst(%dma_wait3A_55 : memref<128x128xf32, #tpu.memory_space<hbm>>)
    %add3A_60 = arith.constant 4096 : i32
    %add3A_61 = arith.addi %add3A_60, %mul3A_25 : i32
    %dma_wait3A_62 = arith.constant 2 : i32
    %dma_wait3A_63 = arith.constant 0 : i32
    %dma_wait3A_64 = arith.constant 0 : i32
    %dma_wait3A_65 = tpu.memref_slice %arg5[%dma_wait3A_62, %dma_wait3A_63, %dma_wait3A_64] : memref<3x128x128xf32, #tpu.memory_space<vmem>> -> memref<1x128x128xf32, #tpu.memory_space<vmem>>
    %dma_wait3A_66 = tpu.memref_squeeze %dma_wait3A_65 : memref<1x128x128xf32, #tpu.memory_space<vmem>> -> memref<128x128xf32, #tpu.memory_space<vmem>>
    %dma_wait3A_67 = arith.constant 0 : i32
    %dma_wait3A_68 = tpu.memref_slice %arg3[%arg1, %add3A_61, %dma_wait3A_67] : memref<16x6144x128xf32, #tpu.memory_space<hbm>> -> memref<1x128x128xf32, #tpu.memory_space<hbm>>
    %dma_wait3A_69 = tpu.memref_squeeze %dma_wait3A_68 : memref<1x128x128xf32, #tpu.memory_space<hbm>> -> memref<128x128xf32, #tpu.memory_space<hbm>>
    %dma_wait3A_70 = arith.constant 0 : i32
    %dma_wait3A_71 = tpu.memref_slice %arg3[%arg1, %add3A_61, %dma_wait3A_70] : memref<16x6144x128xf32, #tpu.memory_space<hbm>> -> memref<1x128x128xf32, #tpu.memory_space<hbm>>
    %dma_wait3A_72 = tpu.memref_squeeze %dma_wait3A_71 : memref<1x128x128xf32, #tpu.memory_space<hbm>> -> memref<128x128xf32, #tpu.memory_space<hbm>>
    %dma_wait3A_73 = arith.constant 0 : i32
    %dma_wait3A_74 = arith.constant 0 : i32
    %dma_wait3A_75 = tpu.memref_slice %arg5[%dma_wait3A_62, %dma_wait3A_73, %dma_wait3A_74] : memref<3x128x128xf32, #tpu.memory_space<vmem>> -> memref<1x128x128xf32, #tpu.memory_space<vmem>>
    %dma_wait3A_76 = tpu.memref_squeeze %dma_wait3A_75 : memref<1x128x128xf32, #tpu.memory_space<vmem>> -> memref<128x128xf32, #tpu.memory_space<vmem>>
    tpu.wait_dma2 semaphore(%arg7 : memref<!tpu.dma_semaphore, #tpu.memory_space<semaphore_mem>>) src(%dma_wait3A_76 : memref<128x128xf32, #tpu.memory_space<vmem>>) dst(%dma_wait3A_72 : memref<128x128xf32, #tpu.memory_space<hbm>>)
    %mul3A_77 = arith.constant 8 : i32
    %mul3A_78 = arith.muli %arg0, %mul3A_77 : i32
    %add3A_79 = arith.constant 7 : i32
    %add3A_80 = arith.addi %mul3A_78, %add3A_79 : i32
    %mul3A_81 = arith.constant 128 : i32
    %mul3A_82 = arith.muli %add3A_80, %mul3A_81 : i32
    %add3A_83 = arith.constant 0 : i32
    %add3A_84 = arith.addi %add3A_83, %mul3A_82 : i32
    %dma_wait3A_85 = arith.constant 0 : i32
    %dma_wait3A_86 = arith.constant 0 : i32
    %dma_wait3A_87 = arith.constant 0 : i32
    %dma_wait3A_88 = tpu.memref_slice %arg6[%dma_wait3A_85, %dma_wait3A_86, %dma_wait3A_87] : memref<3x128x128xf32, #tpu.memory_space<vmem>> -> memref<1x128x128xf32, #tpu.memory_space<vmem>>
    %dma_wait3A_89 = tpu.memref_squeeze %dma_wait3A_88 : memref<1x128x128xf32, #tpu.memory_space<vmem>> -> memref<128x128xf32, #tpu.memory_space<vmem>>
    %dma_wait3A_90 = arith.constant 0 : i32
    %dma_wait3A_91 = tpu.memref_slice %arg3[%arg1, %add3A_84, %dma_wait3A_90] : memref<16x6144x128xf32, #tpu.memory_space<hbm>> -> memref<1x128x128xf32, #tpu.memory_space<hbm>>
    %dma_wait3A_92 = tpu.memref_squeeze %dma_wait3A_91 : memref<1x128x128xf32, #tpu.memory_space<hbm>> -> memref<128x128xf32, #tpu.memory_space<hbm>>
    %dma_wait3A_93 = arith.constant 0 : i32
    %dma_wait3A_94 = tpu.memref_slice %arg3[%arg1, %add3A_84, %dma_wait3A_93] : memref<16x6144x128xf32, #tpu.memory_space<hbm>> -> memref<1x128x128xf32, #tpu.memory_space<hbm>>
    %dma_wait3A_95 = tpu.memref_squeeze %dma_wait3A_94 : memref<1x128x128xf32, #tpu.memory_space<hbm>> -> memref<128x128xf32, #tpu.memory_space<hbm>>
    %dma_wait3A_96 = arith.constant 0 : i32
    %dma_wait3A_97 = arith.constant 0 : i32
    %dma_wait3A_98 = tpu.memref_slice %arg6[%dma_wait3A_85, %dma_wait3A_96, %dma_wait3A_97] : memref<3x128x128xf32, #tpu.memory_space<vmem>> -> memref<1x128x128xf32, #tpu.memory_space<vmem>>
    %dma_wait3A_99 = tpu.memref_squeeze %dma_wait3A_98 : memref<1x128x128xf32, #tpu.memory_space<vmem>> -> memref<128x128xf32, #tpu.memory_space<vmem>>
    tpu.wait_dma2 semaphore(%arg8 : memref<!tpu.dma_semaphore, #tpu.memory_space<semaphore_mem>>) src(%dma_wait3A_99 : memref<128x128xf32, #tpu.memory_space<vmem>>) dst(%dma_wait3A_95 : memref<128x128xf32, #tpu.memory_space<hbm>>)
    %add3A_100 = arith.constant 2048 : i32
    %add3A_101 = arith.addi %add3A_100, %mul3A_82 : i32
    %dma_wait3A_102 = arith.constant 1 : i32
    %dma_wait3A_103 = arith.constant 0 : i32
    %dma_wait3A_104 = arith.constant 0 : i32
    %dma_wait3A_105 = tpu.memref_slice %arg6[%dma_wait3A_102, %dma_wait3A_103, %dma_wait3A_104] : memref<3x128x128xf32, #tpu.memory_space<vmem>> -> memref<1x128x128xf32, #tpu.memory_space<vmem>>
    %dma_wait3A_106 = tpu.memref_squeeze %dma_wait3A_105 : memref<1x128x128xf32, #tpu.memory_space<vmem>> -> memref<128x128xf32, #tpu.memory_space<vmem>>
    %dma_wait3A_107 = arith.constant 0 : i32
    %dma_wait3A_108 = tpu.memref_slice %arg3[%arg1, %add3A_101, %dma_wait3A_107] : memref<16x6144x128xf32, #tpu.memory_space<hbm>> -> memref<1x128x128xf32, #tpu.memory_space<hbm>>
    %dma_wait3A_109 = tpu.memref_squeeze %dma_wait3A_108 : memref<1x128x128xf32, #tpu.memory_space<hbm>> -> memref<128x128xf32, #tpu.memory_space<hbm>>
    %dma_wait3A_110 = arith.constant 0 : i32
    %dma_wait3A_111 = tpu.memref_slice %arg3[%arg1, %add3A_101, %dma_wait3A_110] : memref<16x6144x128xf32, #tpu.memory_space<hbm>> -> memref<1x128x128xf32, #tpu.memory_space<hbm>>
    %dma_wait3A_112 = tpu.memref_squeeze %dma_wait3A_111 : memref<1x128x128xf32, #tpu.memory_space<hbm>> -> memref<128x128xf32, #tpu.memory_space<hbm>>
    %dma_wait3A_113 = arith.constant 0 : i32
    %dma_wait3A_114 = arith.constant 0 : i32
    %dma_wait3A_115 = tpu.memref_slice %arg6[%dma_wait3A_102, %dma_wait3A_113, %dma_wait3A_114] : memref<3x128x128xf32, #tpu.memory_space<vmem>> -> memref<1x128x128xf32, #tpu.memory_space<vmem>>
    %dma_wait3A_116 = tpu.memref_squeeze %dma_wait3A_115 : memref<1x128x128xf32, #tpu.memory_space<vmem>> -> memref<128x128xf32, #tpu.memory_space<vmem>>
    tpu.wait_dma2 semaphore(%arg8 : memref<!tpu.dma_semaphore, #tpu.memory_space<semaphore_mem>>) src(%dma_wait3A_116 : memref<128x128xf32, #tpu.memory_space<vmem>>) dst(%dma_wait3A_112 : memref<128x128xf32, #tpu.memory_space<hbm>>)
    %add3A_117 = arith.constant 4096 : i32
    %add3A_118 = arith.addi %add3A_117, %mul3A_82 : i32
    %dma_wait3A_119 = arith.constant 2 : i32
    %dma_wait3A_120 = arith.constant 0 : i32
    %dma_wait3A_121 = arith.constant 0 : i32
    %dma_wait3A_122 = tpu.memref_slice %arg6[%dma_wait3A_119, %dma_wait3A_120, %dma_wait3A_121] : memref<3x128x128xf32, #tpu.memory_space<vmem>> -> memref<1x128x128xf32, #tpu.memory_space<vmem>>
    %dma_wait3A_123 = tpu.memref_squeeze %dma_wait3A_122 : memref<1x128x128xf32, #tpu.memory_space<vmem>> -> memref<128x128xf32, #tpu.memory_space<vmem>>
    %dma_wait3A_124 = arith.constant 0 : i32
    %dma_wait3A_125 = tpu.memref_slice %arg3[%arg1, %add3A_118, %dma_wait3A_124] : memref<16x6144x128xf32, #tpu.memory_space<hbm>> -> memref<1x128x128xf32, #tpu.memory_space<hbm>>
    %dma_wait3A_126 = tpu.memref_squeeze %dma_wait3A_125 : memref<1x128x128xf32, #tpu.memory_space<hbm>> -> memref<128x128xf32, #tpu.memory_space<hbm>>
    %dma_wait3A_127 = arith.constant 0 : i32
    %dma_wait3A_128 = tpu.memref_slice %arg3[%arg1, %add3A_118, %dma_wait3A_127] : memref<16x6144x128xf32, #tpu.memory_space<hbm>> -> memref<1x128x128xf32, #tpu.memory_space<hbm>>
    %dma_wait3A_129 = tpu.memref_squeeze %dma_wait3A_128 : memref<1x128x128xf32, #tpu.memory_space<hbm>> -> memref<128x128xf32, #tpu.memory_space<hbm>>
    %dma_wait3A_130 = arith.constant 0 : i32
    %dma_wait3A_131 = arith.constant 0 : i32
    %dma_wait3A_132 = tpu.memref_slice %arg6[%dma_wait3A_119, %dma_wait3A_130, %dma_wait3A_131] : memref<3x128x128xf32, #tpu.memory_space<vmem>> -> memref<1x128x128xf32, #tpu.memory_space<vmem>>
    %dma_wait3A_133 = tpu.memref_squeeze %dma_wait3A_132 : memref<1x128x128xf32, #tpu.memory_space<vmem>> -> memref<128x128xf32, #tpu.memory_space<vmem>>
    tpu.wait_dma2 semaphore(%arg8 : memref<!tpu.dma_semaphore, #tpu.memory_space<semaphore_mem>>) src(%dma_wait3A_133 : memref<128x128xf32, #tpu.memory_space<vmem>>) dst(%dma_wait3A_129 : memref<128x128xf32, #tpu.memory_space<hbm>>)
    return
  }
}

</mosaic_0001>

<sc_bundles>
// kernel: kernel.3.cloned.1.call-start
scs
__scs_entry_jumppad:
0x0: {  	(pc) =	sbr.rel $0x88, $3  }
0x1: {  	(tag) =	ssettag $0x0;
	lr =	simm.s32 $0x1  }
0x2: {  	[smem:$0x3FA0] =	sst lr;
	_ =	strace $0xD0000000  }
0x3: {  	_ = 	snop  }
0x4: {  	_ = 	snop  }
0x5: {  	_ = 	snop  }
0x6: {  	_ = 	snop  }
0x7: {  	_ = 	snop  }
__scs_overlays_trampoline_lowered:
0x8: {  	[smem:$0x3FAF] =	sst s0  }
0x9: {  	[smem:$0x3FB0] =	sst s1  }
0xa: {  	[smem:$0x3FB1] =	sst s2  }
0xb: {  	[smem:$0x3FB2] =	sst s3  }
0xc: {  	[smem:$0x3FB3] =	sst s4  }
0xd: {  	[smem:$0x3FB4] =	sst s5  }
0xe: {  	[smem:$0x3FB5] =	sst s6  }
0xf: {  	[smem:$0x3FB6] =	sst s7  }
0x10: {  	[smem:$0x3FB7] =	sst s8  }
0x11: {  	[smem:$0x3FB8] =	sst s9;
	s0 =	simm.s32 @!p0 $0x0  }
0x12: {  	s1 =	sld [smem:$0x3F9E];
	s0 =	simm.s32 @p0 $0x1  }
0x13: {  	[smem:$0x3FB9] =	sst s0;
	s0 =	simm.s32 @!p1 $0x0  }
0x14: {  	s2 =	sld [smem:$0x3F9D];
	s0 =	simm.s32 @p1 $0x1  }
0x15: {  	[smem:$0x3FBA] =	sst s0;
	s0 =	simm.s32 @!p2 $0x0  }
0x16: {  	s3 =	sld [smem:$0x3FDB];
	s0 =	simm.s32 @p2 $0x1  }
0x17: {  	s4 =	simm.s32 $0x1BF5;
	[smem:$0x3FBC] =	sst s0  }
0x18: {  	s0 =	sld [smem:$0x3F9F];
	_ =	swait.ge [sflag:s4], $0x0  }
0x19: {  	s7 =	sld [smem:$0x3FA0]  }
0x1a: {  	s8 =	sadd.s32 $0xFFFFE003, lr  }
0x1b: {  	s9 =	sadd.s32 $0xFFFFFEF7, lr;
	s5 =	simm.s32 $0xFFFFFFFF;
	p2 =	slt.u32 s8, $0xFFFFF086  }
0x1c: {  	p1 =	slt.u32 s9, $0xF7A;
	s5 =	simm.s32 @!p2 $0x0  }
0x1d: {  	s5 =	simm.s32 @p1 $0x1;
	p0 =	seq.s32 s7, s2  }
0x1e: {  	s7 =	smul.u32 @!p0 $0xF7A, s2;
	p2 =	seq.s32 @!p0 s5, $0x0  }
0x1f: {  	s9 =	smul.u32 $0xF7A, s1;
	s8 =	simm.s32 @!p0 $0x1BF5;
	p2 =	por !p2, p0  }
0x20: {  	[sflag:s8] =	ssyncset.s32 @!p0 $0xFFFFF086;
	s6 =	sadd.s32 @!p0 s3, s7;
	s7 =	simm.s32 @!p0 $0x108  }
0x21: {  	s3 =	sadd.s32 s3, s9;
	s6 =	sadd.s32 @!p0 $0x88, s6;
	s7 =	simm.s32 @p2 $0x1082  }
0x22: {  	[simem:s7], [sflag:s8] =	dma.local @!p0 [hbm:s6], $0xF7A  }
0x23: {  	s9 =	sor.u32 $0xD0000000, s2;
	s6 =	simm.s32 $0x108;
	_ =	swait.ge @!p0 [sflag:s8], $0x0  }
0x24: {  	s3 =	sadd.s32 $0x88, s3;
	s6 =	simm.s32 @!p1 $0x1082;
	[sflag:s4] =	ssyncset.s32 $0xFFFFF086  }
0x25: {  	[simem:s6], [sflag:s4] =	dma.local [hbm:s3], $0xF7A  }
0x26: {  	[smem:$0x3FA0] =	sst s1;
	(tag) =	ssettag s2;
	_ =	strace s9  }
0x27: {  	s1 =	sld [smem:$0x3FB0]  }
0x28: {  	s2 =	sld [smem:$0x3FB1]  }
0x29: {  	s4 =	sld [smem:$0x3FB3]  }
0x2a: {  	p0 =	seq.s32 s5, $0x0;
	s5 =	sld [smem:$0x3FB4]  }
0x2b: {  	s6 =	sld [smem:$0x3FB5]  }
0x2c: {  	s7 =	sld [smem:$0x3FB6]  }
0x2d: {  	s3 =	simm.s32 $0x108;
	s8 =	sld [smem:$0x3FB7]  }
0x2e: {  	s3 =	simm.s32 @!p0 $0x1082;
	s9 =	sld [smem:$0x3FB8]  }
0x2f: {  	lr =	sadd.s32 s0, s3;
	s0 =	sld [smem:$0x3FAF]  }
0x30: {  	s3 =	sld [smem:$0x3FB2]  }
0x31: {  	[smem:$0x3FBB] =	sst s10  }
0x32: {  	s10 =	sld [smem:$0x3FB9];
	_ =	sdelay $0x3  }
0x33: {  	p0 =	seq.s32 s10, $0x1;
	s10 =	sld [smem:$0x3FBB];
	_ =	sdelay $0x3  }
0x34: {  	[smem:$0x3FBB] =	sst s10  }
0x35: {  	s10 =	sld [smem:$0x3FBA];
	_ =	sdelay $0x3  }
0x36: {  	p1 =	seq.s32 s10, $0x1;
	s10 =	sld [smem:$0x3FBB];
	_ =	sdelay $0x3  }
0x37: {  	[smem:$0x3FBB] =	sst s10  }
0x38: {  	s10 =	sld [smem:$0x3FBC]  }
0x39: {  	_ = 	snop;
	(pc) =	sbr.ind lr, $3  }
0x3a: {  	_ = 	snop  }
0x3b: {  	_ = 	snop  }
0x3c: {  	p2 =	seq.s32 s10, $0x1;
	s10 =	sld [smem:$0x3FBB]  }
0x3d: {  	_ =	shalt  }
0x3e: {  	_ =	shalt  }
0x3f: {  	_ =	shalt  }
0x40: {  	_ =	shalt  }
0x41: {  	_ =	shalt  }
0x42: {  	_ =	shalt  }
0x43: {  	_ =	shalt  }
0x44: {  	_ =	shalt  }
0x45: {  	_ =	shalt  }
0x46: {  	_ =	shalt  }
0x47: {  	_ =	shalt  }
0x48: {  	_ =	shalt  }
0x49: {  	_ =	shalt  }
0x4a: {  	_ =	shalt  }
0x4b: {  	_ =	shalt  }
0x4c: {  	_ =	shalt  }
0x4d: {  	_ =	shalt  }
0x4e: {  	_ =	shalt  }
0x4f: {  	_ =	shalt  }
0x50: {  	_ =	shalt  }
0x51: {  	_ =	shalt  }
0x52: {  	_ =	shalt  }
0x53: {  	_ =	shalt  }
0x54: {  	_ =	shalt  }
0x55: {  	_ =	shalt  }
0x56: {  	_ =	shalt  }
0x57: {  	_ =	shalt  }
0x58: {  	_ =	shalt  }
0x59: {  	_ =	shalt  }
0x5a: {  	_ =	shalt  }
0x5b: {  	_ =	shalt  }
0x5c: {  	_ =	shalt  }
0x5d: {  	_ =	shalt  }
0x5e: {  	_ =	shalt  }
0x5f: {  	_ =	shalt  }
0x60: {  	_ =	shalt  }
0x61: {  	_ =	shalt  }
0x62: {  	_ =	shalt  }
0x63: {  	_ =	shalt  }
0x64: {  	_ =	shalt  }
0x65: {  	_ =	shalt  }
0x66: {  	_ =	shalt  }
0x67: {  	_ =	shalt  }
0x68: {  	_ =	shalt  }
0x69: {  	_ =	shalt  }
0x6a: {  	_ =	shalt  }
0x6b: {  	_ =	shalt  }
0x6c: {  	_ =	shalt  }
0x6d: {  	_ =	shalt  }
0x6e: {  	_ =	shalt  }
0x6f: {  	_ =	shalt  }
0x70: {  	_ =	shalt  }
0x71: {  	_ =	shalt  }
0x72: {  	_ =	shalt  }
0x73: {  	_ =	shalt  }
0x74: {  	_ =	shalt  }
0x75: {  	_ =	shalt  }
0x76: {  	_ =	shalt  }
0x77: {  	_ =	shalt  }
0x78: {  	_ =	shalt  }
0x79: {  	_ =	shalt  }
0x7a: {  	_ =	shalt  }
0x7b: {  	_ =	shalt  }
0x7c: {  	_ =	shalt  }
0x7d: {  	_ =	shalt  }
0x7e: {  	_ =	shalt  }
0x7f: {  	_ =	shalt  }
0x80: {  	_ =	shalt  }
0x81: {  	_ =	shalt  }
0x82: {  	_ =	shalt  }
0x83: {  	_ =	shalt  }
0x84: {  	_ =	shalt  }
0x85: {  	_ =	shalt  }
0x86: {  	_ =	shalt  }
0x87: {  	_ =	shalt  }
.Lfunc_end0:
.L_simem_size_0:
called_computation_lowered:
.L_overlay_start_0:
0x88: {  	s2 =	sld [smem:$0x3FD9]  }
0x89: {  	s3 =	sld [smem:$0x3FFE];
	_ =	sdelay $0x1  }
0x8a: {  	s1 =	srdreg.scid  }
0x8b: {  	s0 =	sand.u32 $0x1, s1  }
0x8c: {  	s17 =	sshll.u32 s0, $0xA;
	s2 =	sadd.s32 s3, s2  }
0x8d: {  	s2 =	sadd.s32 s2, s17  }
0x8e: {  	[smem:$0x3FC7] =	sst s2  }
0x8f: {  	_ = 	snop  }
0x90: {  	s2 =	sld [smem:$0x3FD0];
	(tm) =	ssettm $0x1  }
0x91: {  	s18 =	sld [smem:$0x3FFB];
	_ =	sdelay $0x3  }
0x92: {  	_ =	strace s18  }
0x93: {  	s3 =	sld [smem:$0x3FFC];
	_ =	sdelay $0x3  }
0x94: {  	_ =	strace s3  }
0x95: {  	s3 =	sld [smem:$0x3FFD];
	_ =	sdelay $0x3  }
0x96: {  	_ =	strace s3  }
0x97: {  	_ =	strace $0x8FFFFFFF  }
0x98: {  	s19 =	sld [smem:$0x3FDB];
	_ =	sdelay $0x1  }
0x99: {  	s4 =	simm.s32 $_scs_section_size  }
0x9a: {  	s5 =	simm.s32 $_size__tile_overlayer_lowered;
	s6 =	simm.s32 $_tile_overlayer_lowered  }
0x9b: {  	s22 =	simm.s32 $0x1BFF;
	s21 =	sshll.u32 s6, $0x1;
	s3 =	sadd.s32 s4, s19  }
0x9c: {  	s7 =	simm.s32 $0x0;
	s20 =	sshll.u32 s5, $0x1;
	s5 =	sadd.s32 s21, s3  }
0x9d: {  	[timem:s7], [sflag:s22] =	dma.local [hbm:s5], s20  }
0x9e: {  	_ =	swait.ge [sflag:s22], s20  }
0x9f: {  	s4 =	ssub.s32 $0x0, s20;
	[sflag:s22] =	ssyncset.done $0x0  }
0xa0: {  	[sflag:s22] =	ssyncadd.s32 s4;
	_ =	sdelay $0x1  }
0xa1: {  	s23 =	simm.s32 $0x1B8B  }
0xa2: {  	_ =	swait.ge [sflag:s23], $0x1  }
0xa3: {  	[sflag:s23] =	ssyncset.done $0x0  }
0xa4: {  	s25 =	simm.s32 $0x1B8E;
	s24 =	sld [smem:$0x3FFE];
	[sflag:s23] =	ssyncadd.s32 $0xFFFFFFFF  }
0xa5: {  	s26 =	simm.s32 $execute0_lowered;
	[smem:$0x3FD2] =	sst s25  }
0xa6: {  	s5 =	sshll.u32 s26, $0x1;
	_ =	strace $0x80000046;
	[dreg:$0x1] =	wrdreg $0xFFFFFFFF  }
0xa7: {  	s28 =	simm.s32 $_size_execute0_lowered;
	s3 =	sadd.s32 s3, s5;
	[dreg:$0x0] =	wrdreg $0x0  }
0xa8: {  	s5 =	sshll.u32 s28, $0x1;
	[dreg:$0x2] =	wrdreg s3  }
0xa9: {  	[dreg:$0x3] =	wrdreg s5  }
0xaa: {  	[dreg:$0x4] =	wrdreg $0xC0  }
0xab: {  	_ =	task [dreg:s7], $0x5FFFF  }
0xac: {  	[dreg:$0x1] =	wrdreg $0xFFFFFFFF  }
0xad: {  	[dreg:$0x0] =	wrdreg $0x60  }
0xae: {  	[dreg:$0x2] =	wrdreg s24  }
0xaf: {  	[dreg:$0x3] =	wrdreg s2  }
0xb0: {  	[dreg:$0x4] =	wrdreg $0x9  }
0xb1: {  	_ =	task.clear_ibuf [dreg:s7], $0x5FFFF;
	_ =	strace $0x90000046  }
0xb2: {  	s29 =	simm.s32 $0x9;
	_ =	strace $0x80000048  }
0xb3: {  	_ =	swait.ge [sflag:s29], $0x1  }
0xb4: {  	[sflag:s29] =	ssyncadd.s32 $0xFFFFFFFF  }
0xb5: {  	_ =	strace $0x90000048  }
0xb6: {  	_ =	sfence  }
0xb7: {  	s30 =	sld [smem:$0x0];
	_ =	sdelay $0x2  }
0xb8: {  	s31 =	sshll.u32 s1, $0xD;
	s1 =	sshrl.u32 s1, $0x2  }
0xb9: {  	s3 =	sand.u32 $0x4000, s31;
	s1 =	sadd.s32 s1, s30  }
0xba: {  	s0 =	sor.u32 s3, s0;
	s1 =	sshll.u32 s1, $0x11  }
0xbb: {  	s0 =	sor.u32 s1, s0  }
0xbc: {  	s0 =	sadd.s32 $0x8F2B, s0  }
0xbd: {  	[sflag:s0] =	ssyncadd.remote.s32 $0x1  }
0xbe: {  	_ =	sfence.sel $0xFFFF  }
0xbf: {  	[dreg:$0x0] =	wrdreg $0xFFFFFFFF;
	(pc) =	sbr.abs _section_cstart, $3  }
0xc0: {  	[dreg:$0x1] =	wrdreg $0xFFFFFFFF  }
0xc1: {  	_ =	task.clear_ibuf [dreg:s7], $0x2FFFF;
	_ =	strace $0x9FFFFFFF  }
0xc2: {  	(tm) =	ssettm $0x7FFFFFFF  }
0xc3: {  	_ =	shalt  }
tec
execute0_lowered:
.L_overlay_start_1:
0x0: {  	(tag) =	ssettag $0x1  }
0x1: {  	s4 =	rddreg [dreg:$0x0]  }
0x2: {  	s1 =	rddreg [dreg:$0x1]  }
0x3: {  	s0 =	rddreg [dreg:$0x2]  }
0x4: {  	s3 =	simm.s32 $0x0;
	s5 =	srdreg.scid;
	s2 =	stileid.u32  }
0x5: {  	s10 =	simm.s32 $0x1;
	s11 =	simm.s32 $0x2;
	s12 =	simm.s32 $0xC200  }
0x6: {  	s13 =	simm.s32 $0x10200;
	s14 =	simm.s32 $0x14200;
	s15 =	simm.s32 $0x200  }
0x7: {  	s16 =	simm.s32 $0x4200;
	s17 =	simm.s32 $0x8200;
	s18 =	simm.s32 $0x0  }
.Ltmp0:
0x8: {  	[smem:$0x7FF] =	sst s3;
	s6 =	sand.u32 $0x1, s5;
	(pc) =	sbr.rel .LBB2_1-.Ltmp0, $4  }
0x9: {  	s31 =	sshll.u32 s2, $0x6;
	_ =	strace $0x80000047;
	s7 =	ssub.s32 $0x2, s6  }
0xa: {  	s5 =	sadd.s32 s31, s4;
	s4 =	smul.u32 $0xC0000, s2;
	s8 =	sshrl.u32 s7, $0x1  }
0xb: {  	v0 =	vimm.f32 $0.0e+00;
	v1 =	vlaneseq.u32;
	s6 =	sshll.u32 s6, $0xA;
	s5 =	sadd.s32 $0x400, s5;
	s9 =	ssub.s32 s7, s8  }
0xc: {  	vm0 =	vmxor vm0, vm0;
	v2 =	vadd.s32 $0x1, v1;
	v3 =	vadd.s32 $0x7FFF, v1;
	s7 =	sadd.s32 $0x40000, s4;
	s8 =	sadd.s32 $0x80000, s4;
	s9 =	smax.u32 s9, $0x1  }
.LBB2_25:
0xd: {  	_ =	swait.ge [sflag:s10], $0x4000  }
0xe: {  	[sflag:s10] =	ssyncset.done $0x0  }
0xf: {  	[sflag:s10] =	ssyncadd.s32 $0xFFFFC000  }
0x10: {  	_ =	swait.ge [sflag:s10], $0x4000  }
0x11: {  	[sflag:s10] =	ssyncset.done $0x0  }
0x12: {  	[sflag:s10] =	ssyncadd.s32 $0xFFFFC000  }
0x13: {  	_ =	swait.ge [sflag:s10], $0x4000  }
0x14: {  	[sflag:s10] =	ssyncset.done $0x0  }
0x15: {  	[sflag:s10] =	ssyncadd.s32 $0xFFFFC000  }
0x16: {  	_ =	swait.ge [sflag:s11], $0x4000  }
0x17: {  	[sflag:s11] =	ssyncset.done $0x0  }
0x18: {  	s18 =	sadd.s32 $0x1, s18;
	[sflag:s11] =	ssyncadd.s32 $0xFFFFC000  }
0x19: {  	p0 =	sne.s32 s18, s9;
	_ =	swait.ge [sflag:s11], $0x4000  }
.Ltmp1:
0x1a: {  	[sflag:s11] =	ssyncset.done $0x0;
	(pc) =	sbr.rel @!p0 .LBB2_26-.Ltmp1, $4  }
0x1b: {  	[sflag:s11] =	ssyncadd.s32 $0xFFFFC000  }
0x1c: {  	_ =	swait.ge [sflag:s11], $0x4000  }
0x1d: {  	[sflag:s11] =	ssyncset.done $0x0  }
0x1e: {  	[sflag:s11] =	ssyncadd.s32 $0xFFFFC000  }
.LBB2_1:
0x1f: {  	[tilespmem:s3], [sflag:$0x1] =	stream.linear.gather [hbm4b:s5+s3], $0x200, $0x38;
	[tilespmem:$0x18200] =	vst v63  }
0x20: {  	s19 =	simm.s32 $0x0;
	s20 =	simm.s32 $0x200  }
.LBB2_2:
0x21: {  	p0 =	sne.s32 s20, $0xFE00;
	[tilespmem:s19+$0x8270] =	vst v0  }
0x22: {  	[tilespmem:s19+$0x200] =	vst v0  }
0x23: {  	[tilespmem:s19+$0x210] =	vst v0  }
0x24: {  	[tilespmem:s19+$0x220] =	vst v0  }
0x25: {  	[tilespmem:s19+$0x230] =	vst v0  }
0x26: {  	[tilespmem:s19+$0x240] =	vst v0  }
0x27: {  	[tilespmem:s19+$0x250] =	vst v0  }
0x28: {  	[tilespmem:s19+$0x260] =	vst v0  }
0x29: {  	[tilespmem:s19+$0x270] =	vst v0  }
0x2a: {  	[tilespmem:s19+$0x4200] =	vst v0  }
0x2b: {  	[tilespmem:s19+$0x4210] =	vst v0  }
0x2c: {  	[tilespmem:s19+$0x4220] =	vst v0  }
0x2d: {  	[tilespmem:s19+$0x4230] =	vst v0  }
0x2e: {  	[tilespmem:s19+$0x4240] =	vst v0  }
0x2f: {  	[tilespmem:s19+$0x4250] =	vst v0  }
0x30: {  	[tilespmem:s19+$0x4260] =	vst v0  }
0x31: {  	[tilespmem:s19+$0x4270] =	vst v0  }
0x32: {  	[tilespmem:s19+$0x8200] =	vst v0  }
0x33: {  	[tilespmem:s19+$0x8210] =	vst v0  }
.Ltmp2:
0x34: {  	[tilespmem:s19+$0x8220] =	vst v0;
	(pc) =	sbr.rel @p0 .LBB2_2-.Ltmp2, $4  }
0x35: {  	[tilespmem:s19+$0x8230] =	vst v0  }
0x36: {  	[tilespmem:s19+$0x8240] =	vst v0  }
0x37: {  	[tilespmem:s19+$0x8250] =	vst v0  }
0x38: {  	[tilespmem:s19+$0x8260] =	vst v0;
	s19 =	sshra.s32 s20, $0x2;
	s20 =	sadd.s32 $0x200, s20  }
0x39: {  	[tilespmem:s19+$0x8270] =	vst v0  }
0x3a: {  	[tilespmem:s19+$0x200] =	vst v0  }
0x3b: {  	[tilespmem:s19+$0x210] =	vst v0  }
0x3c: {  	[tilespmem:s19+$0x220] =	vst v0  }
0x3d: {  	[tilespmem:s19+$0x230] =	vst v0  }
0x3e: {  	[tilespmem:s19+$0x240] =	vst v0  }
0x3f: {  	[tilespmem:s19+$0x250] =	vst v0  }
0x40: {  	[tilespmem:s19+$0x260] =	vst v0  }
0x41: {  	[tilespmem:s19+$0x270] =	vst v0  }
0x42: {  	[tilespmem:s19+$0x4200] =	vst v0  }
0x43: {  	[tilespmem:s19+$0x4210] =	vst v0  }
0x44: {  	[tilespmem:s19+$0x4220] =	vst v0  }
0x45: {  	[tilespmem:s19+$0x4230] =	vst v0  }
0x46: {  	[tilespmem:s19+$0x4240] =	vst v0  }
0x47: {  	[tilespmem:s19+$0x4250] =	vst v0  }
0x48: {  	[tilespmem:s19+$0x4260] =	vst v0  }
0x49: {  	[tilespmem:s19+$0x4270] =	vst v0  }
0x4a: {  	[tilespmem:s19+$0x8200] =	vst v0  }
0x4b: {  	[tilespmem:s19+$0x8210] =	vst v0  }
0x4c: {  	[tilespmem:s19+$0x8220] =	vst v0  }
0x4d: {  	[tilespmem:s19+$0x8230] =	vst v0  }
0x4e: {  	[tilespmem:s19+$0x8240] =	vst v0  }
.Ltmp3:
0x4f: {  	[tilespmem:s19+$0x8250] =	vst v0;
	(pc) =	sbr.rel .LBB2_4-.Ltmp3, $4  }
0x50: {  	[tilespmem:s19+$0x8260] =	vst v0  }
0x51: {  	_ =	swait.ge [sflag:s10], $0x200  }
0x52: {  	[sflag:s10] =	ssyncset.done $0x0  }
0x53: {  	s19 =	simm.s32 $0x0;
	[sflag:s10] =	ssyncadd.s32 $0xFFFFFE00  }
.LBB2_24:
0x54: {  	s19 =	sadd.s32 $0x1, s19  }
0x55: {  	p0 =	sne.s32 s19, $0x8  }
.Ltmp4:
0x56: {  	_ = 	snop;
	(pc) =	sbr.rel @!p0 .LBB2_25-.Ltmp4, $1  }
0x57: {  	_ =	sdelay $0x3  }
.LBB2_4:
0x58: {  	s20 =	sand.u32 $0x1, s19  }
0x59: {  	p0 =	seq.s32 s20, $0x1  }
.Ltmp5:
0x5a: {  	_ = 	snop;
	(pc) =	sbr.rel @!p0 .LBB2_5-.Ltmp5, $3  }
0x5b: {  	_ =	sdelay $0x1  }
0x5c: {  	s21 =	sshll.u32 s19, $0x7  }
0x5d: {  	s20 =	sadd.s32 s6, s21  }
0x5e: {  	p1 =	sne.s32 s19, $0x1  }
.Ltmp6:
0x5f: {  	_ = 	snop;
	(pc) =	sbr.rel @!p1 .LBB2_13-.Ltmp6, $2  }
0x60: {  	_ =	sdelay $0x2  }
0x61: {  	s22 =	simm.s32 $0x0  }
0x62: {  	_ =	swait.ge [sflag:s11], $0x4000  }
0x63: {  	[sflag:s11] =	ssyncset.done $0x0  }
0x64: {  	[sflag:s11] =	ssyncadd.s32 $0xFFFFC000  }
0x65: {  	_ =	swait.ge [sflag:s11], $0x4000  }
.Ltmp7:
0x66: {  	[sflag:s11] =	ssyncset.done $0x0;
	(pc) =	sbr.rel .LBB2_17-.Ltmp7, $4  }
0x67: {  	[sflag:s11] =	ssyncadd.s32 $0xFFFFC000  }
0x68: {  	_ =	swait.ge [sflag:s11], $0x4000  }
0x69: {  	[sflag:s11] =	ssyncset.done $0x0  }
0x6a: {  	[sflag:s11] =	ssyncadd.s32 $0xFFFFC000  }
.LBB2_5:
0x6b: {  	p0 =	slt.u32 s19, $0x2  }
0x6c: {  	s21 =	simm.s32 @!p0 $0x1  }
0x6d: {  	_ =	swait.ge @!p0 [sflag:s21], $0x4000  }
0x6e: {  	[sflag:s21] =	ssyncset.done @!p0 $0x0  }
0x6f: {  	[sflag:s21] =	ssyncadd.s32 @!p0 $0xFFFFC000  }
0x70: {  	_ =	swait.ge @!p0 [sflag:s21], $0x4000  }
0x71: {  	[sflag:s21] =	ssyncset.done @!p0 $0x0  }
0x72: {  	[sflag:s21] =	ssyncadd.s32 @!p0 $0xFFFFC000  }
0x73: {  	_ =	swait.ge @!p0 [sflag:s21], $0x4000  }
0x74: {  	p1 =	sgt.u32 s19, $0x1;
	[sflag:s21] =	ssyncset.done @!p0 $0x0  }
0x75: {  	p2 =	por $0x1, $0x1;
	[sflag:s21] =	ssyncadd.s32 @!p0 $0xFFFFC000;
	s21 =	sadd.s32 $0xFFFFFF00, s20  }
.LBB2_6:
0x76: {  	s22 =	smov.u32 s20;
	s23 =	simm.f32 $-1.000000000e+00  }
0x77: {  	vm1 =	vmmov vm0;
	s22 =	smov.u32 @p2 s21;
	s23 =	simm.s32 @!p2 $0x3F800000  }
0x78: {  	p0 =	por p2, p2;
	vm1 =	vmneg @p1 vm1;
	v4 =	vmov s23;
	v5 =	vmov s22;
	s22 =	simm.s32 $0x0;
	s23 =	simm.s32 $0x0  }
.LBB2_7:
0x79: {  	v7 =	vor.u32 s22, v1  }
0x7a: {  	v6 =	vmov s23;
	v8 =	vshll.u32 v7, $0x2  }
0x7b: {  	v8 =	vadd.s32 v6, v8;
	_ =	sdelay $0x4  }
0x7c: {  	v8 =	vld.idx.msk [tilespmem:v8+s3+$0x0], $0xffff;
	_ =	sdelay $0x4  }
0x7d: {  	v8 =	vand.u32 $0x7FF, v8  }
0x7e: {  	v9 =	vmov s22;
	v10 =	vadd.s32 s22, v3;
	v8 =	vsub.s32 v8, v5  }
0x7f: {  	v11 =	vadd.s32 s22, v2;
	vm3 =	vlt.u32 v7, $0x7F;
	vm2 =	vlt.u32 v8, $0x80  }
0x80: {  	v12 =	vand.u32 $0x80, v11;
	v13 =	vshll.u32 v8, $0x7;
	vm2 =	vmand vm1, vm2  }
0x81: {  	v8 =	vand.u32 $0x7F, v11;
	v11 =	vadd.s32 v12, v13;
	vm3 =	vmand vm3, vm2  }
0x82: {  	s24 =	simm.s32 $0x10;
	vm4 =	vne.s32 v9, v1;
	v8 =	vor.u32 v8, v11;
	v11 =	vadd.s32 v7, v13  }
0x83: {  	v7 =	vor.u32 s24, v1;
	vm4 =	vmand vm4, vm2;
	v9 =	vadd.s32 $0x4000, v11  }
0x84: {  	v10 =	vadd.s32 v13, v10;
	v11 =	vshll.u32 v7, $0x2  }
0x85: {  	s25 =	simm.s32 $0x20;
	v11 =	vadd.s32 v6, v11  }
.LBB2_8:
0x86: {  	p1 =	sne.s32 s25, $0x70  }
0x87: {  	[tilespmem:v8+s15+$0x0] =	vst.idx.add.f32.msk vm3, v4  }
0x88: {  	[tilespmem:v9+s15+$0x0] =	vst.idx.add.f32.msk vm2, v4  }
0x89: {  	[tilespmem:v10+s15+$0x0] =	vst.idx.add.f32.msk vm4, v4  }
0x8a: {  	v8 =	vld.idx.msk [tilespmem:v11+s3+$0x0], $0xffff;
	_ =	sdelay $0x5  }
0x8b: {  	v8 =	vand.u32 $0x7FF, v8  }
0x8c: {  	v9 =	vmov s24;
	v10 =	vadd.s32 s24, v3;
	v8 =	vsub.s32 v8, v5  }
0x8d: {  	vm3 =	vlt.u32 v7, $0x7F;
	v11 =	vadd.s32 s24, v2;
	s24 =	smov.u32 s25;
	vm2 =	vlt.u32 v8, $0x80  }
0x8e: {  	v12 =	vand.u32 $0x80, v11;
	v13 =	vshll.u32 v8, $0x7;
	vm2 =	vmand vm1, vm2  }
.Ltmp8:
0x8f: {  	v8 =	vand.u32 $0x7F, v11;
	v11 =	vadd.s32 v12, v13;
	vm3 =	vmand vm3, vm2;
	(pc) =	sbr.rel @p1 .LBB2_8-.Ltmp8, $4  }
0x90: {  	vm4 =	vne.s32 v9, v1;
	v8 =	vor.u32 v8, v11;
	v11 =	vadd.s32 v7, v13  }
0x91: {  	v7 =	vor.u32 s25, v1;
	vm4 =	vmand vm4, vm2;
	v9 =	vadd.s32 $0x4000, v11  }
0x92: {  	v10 =	vadd.s32 v13, v10;
	v11 =	vshll.u32 v7, $0x2  }
0x93: {  	s25 =	sadd.s32 $0x10, s25;
	v11 =	vadd.s32 v6, v11  }
0x94: {  	_ =	sdelay $0x4  }
0x95: {  	[tilespmem:v8+s15+$0x0] =	vst.idx.add.f32.msk vm3, v4  }
0x96: {  	[tilespmem:v9+s15+$0x0] =	vst.idx.add.f32.msk vm2, v4  }
0x97: {  	[tilespmem:v10+s15+$0x0] =	vst.idx.add.f32.msk vm4, v4  }
0x98: {  	v6 =	vld.idx.msk [tilespmem:v11+s3+$0x0], $0xffff;
	_ =	sdelay $0x4  }
0x99: {  	v6 =	vand.u32 $0x7FF, v6  }
0x9a: {  	v60 =	vmov s24;
	v6 =	vsub.s32 v6, v5  }
0x9b: {  	v61 =	vadd.s32 s24, v2;
	vm3 =	vlt.u32 v7, $0x7F;
	vm2 =	vlt.u32 v6, $0x80  }
0x9c: {  	v62 =	vand.u32 $0x80, v61;
	v6 =	vshll.u32 v6, $0x7;
	vm2 =	vmand vm1, vm2  }
0x9d: {  	v9 =	vand.u32 $0x7F, v61;
	v10 =	vadd.s32 v62, v6;
	vm3 =	vmand vm3, vm2  }
0x9e: {  	vm15 =	vne.s32 v60, v1;
	v7 =	vadd.s32 v7, v6;
	v9 =	vor.u32 v9, v10  }
0x9f: {  	v63 =	vadd.s32 s24, v3;
	s23 =	sadd.s32 $0x1, s23;
	v7 =	vadd.s32 $0x4000, v7;
	vm4 =	vmand vm15, vm2  }
0xa0: {  	p1 =	sne.s32 s23, $0x4;
	v6 =	vadd.s32 v6, v63  }
.Ltmp9:
0xa1: {  	_ = 	snop;
	(pc) =	sbr.rel @p1 .LBB2_7-.Ltmp9, $4  }
0xa2: {  	_ = 	snop  }
0xa3: {  	[tilespmem:v9+s15+$0x0] =	vst.idx.add.f32.msk vm3, v4  }
0xa4: {  	[tilespmem:v7+s15+$0x0] =	vst.idx.add.f32.msk vm2, v4  }
0xa5: {  	[tilespmem:v6+s15+$0x0] =	vst.idx.add.f32.msk vm4, v4  }
.Ltmp10:
0xa6: {  	(pc) =	sbr.rel @p0 .LBB2_6-.Ltmp10, $2  }
0xa7: {  	_ =	sdelay $0x2  }
0xa8: {  	p1 =	por $0x1, $0x1;
	p2 =	por $0x0, $0x0  }
0xa9: {  	s20 =	sshll.u32 s20, $0x7  }
0xaa: {  	s21 =	sor.u32 s4, s20  }
0xab: {  	s21 =	sshrl.u32 s21, $0x3  }
0xac: {  	s31 =	sadd.s32 s20, s7;
	s21 =	sadd.s32 s1, s21  }
0xad: {  	[hbm4b:s21+s3] =	stream.linear.scatter [tilespmem:s15], [sflag:$0x1], $0x4000, $0x38;
	[tilespmem:$0x18200] =	vst v63  }
.Ltmp11:
0xae: {  	s20 =	sadd.s32 s20, s8;
	s21 =	sshrl.u32 s31, $0x3;
	(pc) =	sbr.rel .LBB2_24-.Ltmp11, $4  }
0xaf: {  	s20 =	sshrl.u32 s20, $0x3;
	s21 =	sadd.s32 s1, s21  }
0xb0: {  	[hbm4b:s21+s3] =	stream.linear.scatter [tilespmem:s16], [sflag:$0x1], $0x4000, $0x38;
	[tilespmem:$0x18200] =	vst v63  }
0xb1: {  	s20 =	sadd.s32 s1, s20  }
0xb2: {  	[hbm4b:s20+s3] =	stream.linear.scatter [tilespmem:s17], [sflag:$0x1], $0x4000, $0x38;
	[tilespmem:$0x18200] =	vst v63  }
.LBB2_13:
0xb3: {  	s21 =	sshra.s32 s22, $0x2;
	s22 =	sadd.s32 $0x200, s22  }
.LBB2_14:
0xb4: {  	p0 =	seq.s32 s22, $0xFE00;
	[tilespmem:s21+$0x14270] =	vst v0  }
0xb5: {  	[tilespmem:s21+$0xC200] =	vst v0  }
0xb6: {  	[tilespmem:s21+$0xC210] =	vst v0  }
0xb7: {  	[tilespmem:s21+$0xC220] =	vst v0  }
0xb8: {  	[tilespmem:s21+$0xC230] =	vst v0  }
0xb9: {  	[tilespmem:s21+$0xC240] =	vst v0  }
0xba: {  	[tilespmem:s21+$0xC250] =	vst v0  }
0xbb: {  	[tilespmem:s21+$0xC260] =	vst v0  }
0xbc: {  	[tilespmem:s21+$0xC270] =	vst v0  }
0xbd: {  	[tilespmem:s21+$0x10200] =	vst v0  }
0xbe: {  	[tilespmem:s21+$0x10210] =	vst v0  }
0xbf: {  	[tilespmem:s21+$0x10220] =	vst v0  }
0xc0: {  	[tilespmem:s21+$0x10230] =	vst v0  }
0xc1: {  	[tilespmem:s21+$0x10240] =	vst v0  }
0xc2: {  	[tilespmem:s21+$0x10250] =	vst v0  }
0xc3: {  	[tilespmem:s21+$0x10260] =	vst v0  }
0xc4: {  	[tilespmem:s21+$0x10270] =	vst v0  }
0xc5: {  	[tilespmem:s21+$0x14200] =	vst v0  }
0xc6: {  	[tilespmem:s21+$0x14210] =	vst v0  }
.Ltmp12:
0xc7: {  	[tilespmem:s21+$0x14220] =	vst v0;
	(pc) =	sbr.rel @!p0 .LBB2_14-.Ltmp12, $4  }
0xc8: {  	[tilespmem:s21+$0x14230] =	vst v0  }
0xc9: {  	[tilespmem:s21+$0x14240] =	vst v0  }
0xca: {  	[tilespmem:s21+$0x14250] =	vst v0  }
0xcb: {  	[tilespmem:s21+$0x14260] =	vst v0;
	s21 =	sshra.s32 s22, $0x2;
	s22 =	sadd.s32 $0x200, s22  }
0xcc: {  	[tilespmem:s21+$0x14270] =	vst v0  }
0xcd: {  	[tilespmem:s21+$0xC200] =	vst v0  }
0xce: {  	[tilespmem:s21+$0xC210] =	vst v0  }
0xcf: {  	[tilespmem:s21+$0xC220] =	vst v0  }
0xd0: {  	[tilespmem:s21+$0xC230] =	vst v0  }
0xd1: {  	[tilespmem:s21+$0xC240] =	vst v0  }
0xd2: {  	[tilespmem:s21+$0xC250] =	vst v0  }
0xd3: {  	[tilespmem:s21+$0xC260] =	vst v0  }
0xd4: {  	[tilespmem:s21+$0xC270] =	vst v0  }
0xd5: {  	[tilespmem:s21+$0x10200] =	vst v0  }
0xd6: {  	[tilespmem:s21+$0x10210] =	vst v0  }
0xd7: {  	[tilespmem:s21+$0x10220] =	vst v0  }
0xd8: {  	[tilespmem:s21+$0x10230] =	vst v0  }
0xd9: {  	[tilespmem:s21+$0x10240] =	vst v0  }
0xda: {  	[tilespmem:s21+$0x10250] =	vst v0  }
0xdb: {  	[tilespmem:s21+$0x10260] =	vst v0  }
0xdc: {  	[tilespmem:s21+$0x10270] =	vst v0  }
0xdd: {  	[tilespmem:s21+$0x14200] =	vst v0  }
0xde: {  	[tilespmem:s21+$0x14210] =	vst v0  }
0xdf: {  	[tilespmem:s21+$0x14220] =	vst v0  }
0xe0: {  	[tilespmem:s21+$0x14230] =	vst v0  }
0xe1: {  	[tilespmem:s21+$0x14240] =	vst v0  }
0xe2: {  	[tilespmem:s21+$0x14250] =	vst v0  }
0xe3: {  	[tilespmem:s21+$0x14260] =	vst v0  }
.LBB2_17:
0xe4: {  	s21 =	sadd.s32 $0xFFFFFF00, s20;
	p2 =	por $0x1, $0x1  }
.LBB2_18:
0xe5: {  	s22 =	smov.u32 s20;
	s23 =	simm.f32 $-1.000000000e+00  }
0xe6: {  	vm1 =	vmmov vm0;
	s22 =	smov.u32 @p2 s21;
	s23 =	simm.s32 @!p2 $0x3F800000  }
0xe7: {  	p0 =	por p2, p2;
	vm1 =	vmneg @p1 vm1;
	v4 =	vmov s23;
	v5 =	vmov s22;
	s22 =	simm.s32 $0x0;
	s23 =	simm.s32 $0x0  }
.LBB2_19:
0xe8: {  	v7 =	vor.u32 s22, v1  }
0xe9: {  	v6 =	vmov s23;
	v8 =	vshll.u32 v7, $0x2  }
0xea: {  	v8 =	vadd.s32 v6, v8;
	_ =	sdelay $0x4  }
0xeb: {  	v8 =	vld.idx.msk [tilespmem:v8+s3+$0x0], $0xffff;
	_ =	sdelay $0x4  }
0xec: {  	v8 =	vand.u32 $0x7FF, v8  }
0xed: {  	v9 =	vmov s22;
	v10 =	vadd.s32 s22, v3;
	v8 =	vsub.s32 v8, v5  }
0xee: {  	v11 =	vadd.s32 s22, v2;
	vm3 =	vlt.u32 v7, $0x7F;
	vm2 =	vlt.u32 v8, $0x80  }
0xef: {  	v12 =	vand.u32 $0x80, v11;
	v13 =	vshll.u32 v8, $0x7;
	vm2 =	vmand vm1, vm2  }
0xf0: {  	v8 =	vand.u32 $0x7F, v11;
	v11 =	vadd.s32 v12, v13;
	vm3 =	vmand vm3, vm2  }
0xf1: {  	s24 =	simm.s32 $0x10;
	vm4 =	vne.s32 v9, v1;
	v8 =	vor.u32 v8, v11;
	v11 =	vadd.s32 v7, v13  }
0xf2: {  	v7 =	vor.u32 s24, v1;
	vm4 =	vmand vm4, vm2;
	v9 =	vadd.s32 $0x4000, v11  }
0xf3: {  	v10 =	vadd.s32 v13, v10;
	v11 =	vshll.u32 v7, $0x2  }
0xf4: {  	s25 =	simm.s32 $0x20;
	v11 =	vadd.s32 v6, v11  }
.LBB2_20:
0xf5: {  	p1 =	sne.s32 s25, $0x70  }
0xf6: {  	[tilespmem:v8+s12+$0x0] =	vst.idx.add.f32.msk vm3, v4  }
0xf7: {  	[tilespmem:v9+s12+$0x0] =	vst.idx.add.f32.msk vm2, v4  }
0xf8: {  	[tilespmem:v10+s12+$0x0] =	vst.idx.add.f32.msk vm4, v4  }
0xf9: {  	v8 =	vld.idx.msk [tilespmem:v11+s3+$0x0], $0xffff;
	_ =	sdelay $0x5  }
0xfa: {  	v8 =	vand.u32 $0x7FF, v8  }
0xfb: {  	v9 =	vmov s24;
	v10 =	vadd.s32 s24, v3;
	v8 =	vsub.s32 v8, v5  }
0xfc: {  	vm3 =	vlt.u32 v7, $0x7F;
	v11 =	vadd.s32 s24, v2;
	s24 =	smov.u32 s25;
	vm2 =	vlt.u32 v8, $0x80  }
0xfd: {  	v12 =	vand.u32 $0x80, v11;
	v13 =	vshll.u32 v8, $0x7;
	vm2 =	vmand vm1, vm2  }
.Ltmp13:
0xfe: {  	v8 =	vand.u32 $0x7F, v11;
	v11 =	vadd.s32 v12, v13;
	vm3 =	vmand vm3, vm2;
	(pc) =	sbr.rel @p1 .LBB2_20-.Ltmp13, $4  }
0xff: {  	vm4 =	vne.s32 v9, v1;
	v8 =	vor.u32 v8, v11;
	v11 =	vadd.s32 v7, v13  }
0x100: {  	v7 =	vor.u32 s25, v1;
	vm4 =	vmand vm4, vm2;
	v9 =	vadd.s32 $0x4000, v11  }
0x101: {  	v10 =	vadd.s32 v13, v10;
	v11 =	vshll.u32 v7, $0x2  }
0x102: {  	s25 =	sadd.s32 $0x10, s25;
	v11 =	vadd.s32 v6, v11  }
0x103: {  	_ =	sdelay $0x4  }
0x104: {  	[tilespmem:v8+s12+$0x0] =	vst.idx.add.f32.msk vm3, v4  }
0x105: {  	[tilespmem:v9+s12+$0x0] =	vst.idx.add.f32.msk vm2, v4  }
0x106: {  	[tilespmem:v10+s12+$0x0] =	vst.idx.add.f32.msk vm4, v4  }
0x107: {  	v6 =	vld.idx.msk [tilespmem:v11+s3+$0x0], $0xffff;
	_ =	sdelay $0x4  }
0x108: {  	v6 =	vand.u32 $0x7FF, v6  }
0x109: {  	v60 =	vmov s24;
	v6 =	vsub.s32 v6, v5  }
0x10a: {  	v61 =	vadd.s32 s24, v2;
	vm3 =	vlt.u32 v7, $0x7F;
	vm2 =	vlt.u32 v6, $0x80  }
0x10b: {  	v62 =	vand.u32 $0x80, v61;
	v6 =	vshll.u32 v6, $0x7;
	vm2 =	vmand vm1, vm2  }
0x10c: {  	v9 =	vand.u32 $0x7F, v61;
	v10 =	vadd.s32 v62, v6;
	vm3 =	vmand vm3, vm2  }
0x10d: {  	vm15 =	vne.s32 v60, v1;
	v7 =	vadd.s32 v7, v6;
	v9 =	vor.u32 v9, v10  }
0x10e: {  	v63 =	vadd.s32 s24, v3;
	s23 =	sadd.s32 $0x1, s23;
	v7 =	vadd.s32 $0x4000, v7;
	vm4 =	vmand vm15, vm2  }
0x10f: {  	p1 =	sne.s32 s23, $0x4;
	v6 =	vadd.s32 v6, v63  }
.Ltmp14:
0x110: {  	_ = 	snop;
	(pc) =	sbr.rel @p1 .LBB2_19-.Ltmp14, $4  }
0x111: {  	_ = 	snop  }
0x112: {  	[tilespmem:v9+s12+$0x0] =	vst.idx.add.f32.msk vm3, v4  }
0x113: {  	[tilespmem:v7+s12+$0x0] =	vst.idx.add.f32.msk vm2, v4  }
0x114: {  	[tilespmem:v6+s12+$0x0] =	vst.idx.add.f32.msk vm4, v4  }
.Ltmp15:
0x115: {  	(pc) =	sbr.rel @p0 .LBB2_18-.Ltmp15, $2  }
0x116: {  	_ =	sdelay $0x2  }
0x117: {  	p1 =	por $0x1, $0x1;
	p2 =	por $0x0, $0x0  }
0x118: {  	s20 =	sshll.u32 s20, $0x7  }
0x119: {  	s21 =	sor.u32 s4, s20  }
0x11a: {  	s21 =	sshrl.u32 s21, $0x3  }
0x11b: {  	s31 =	sadd.s32 s20, s7;
	s21 =	sadd.s32 s1, s21  }
0x11c: {  	[hbm4b:s21+s3] =	stream.linear.scatter [tilespmem:s12], [sflag:$0x2], $0x4000, $0x38;
	[tilespmem:$0x18200] =	vst v63  }
.Ltmp16:
0x11d: {  	s20 =	sadd.s32 s20, s8;
	s21 =	sshrl.u32 s31, $0x3;
	(pc) =	sbr.rel .LBB2_24-.Ltmp16, $4  }
0x11e: {  	s20 =	sshrl.u32 s20, $0x3;
	s21 =	sadd.s32 s1, s21  }
0x11f: {  	[hbm4b:s21+s3] =	stream.linear.scatter [tilespmem:s13], [sflag:$0x2], $0x4000, $0x38;
	[tilespmem:$0x18200] =	vst v63  }
0x120: {  	s20 =	sadd.s32 s1, s20  }
0x121: {  	[hbm4b:s20+s3] =	stream.linear.scatter [tilespmem:s14], [sflag:$0x2], $0x4000, $0x38;
	[tilespmem:$0x18200] =	vst v63  }
.LBB2_26:
0x122: {  	_ =	sfence.sel $0x180000  }
0x123: {  	[bflag:$0x0] =	sbarrier.arrive $0xFFFF  }
0x124: {  	p0 =	sne.s32 s2, $0x0;
	_ =	strace $0x90000047  }
0x125: {  	s0 =	sadd.s32 @!p0 $0x100000, s0;
	[bflag:$0x2] =	sbarrier.arrive $0xFFFF  }
0x126: {  	[sflag:s0] =	ssyncadd.tile.s32 @!p0 $0x1;
	_ =	shalt  }
.Lfunc_end2:
_tile_overlayer_lowered:
.L_overlay_start_2:
0x127: {  	(tag) =	ssettag $0x2  }
0x128: {  	s0 =	rddreg [dreg:$0x0];
	s2 =	stileid.u32  }
0x129: {  	s1 =	rddreg [dreg:$0x1];
	p0 =	sne.s32 s2, $0x0  }
0x12a: {  	s3 =	rddreg [dreg:$0x2];
	[bflag:$0x3] =	sbarrier.arrive $0xFFFF;
	s2 =	simm.s32 @!p0 $0x1C03  }
0x12b: {  	[timem:s3], [sflag:s2] =	dma.local @!p0 [hbm:s0], s1  }
0x12c: {  	s0 =	simm.s32 @!p0 $0x3  }
0x12d: {  	_ =	swait.ge @!p0 [sflag:s0], s1  }
0x12e: {  	s1 =	ssub.s32 @!p0 $0x0, s1;
	[sflag:s0] =	ssyncset.done @!p0 $0x0  }
0x12f: {  	[sflag:s0] =	ssyncadd.s32 @!p0 s1  }
0x130: {  	[bflag:$0x3] =	sbarrier.arrive $0xFFFF  }
0x131: {  	_ =	shalt  }

</sc_bundles>
